<compile_context>
chip_gen: v7x
topology: tpu7x:2x2x1
jax: 0.10.2.dev20260603
libtpu: 0.0.44.dev20260713+nightly
codegen_flags: <defaults>
</compile_context>

<pallas_src>
import functools

import jax
import jax.numpy as jnp
from jax import lax
from jax.experimental import pallas as pl
from jax.experimental.pallas import tpu as pltpu
from jax.experimental.pallas import tpu_sc as plsc

SIZE = 1024
WORDS = SIZE // 4
SMOOTHING = 0.1
CONFIDENCE = 1.0 - SMOOTHING
T = 16384
LOG19 = 0.6418538861723947

TC_T = 15360
SC_T = T - TC_T
ROWS = 512
NW = 32
RPT = SC_T // NW
CHUNK = 16
NCHUNK = RPT // CHUNK
XPAD = SIZE + 1
MPAD = WORDS + 1


def _tc_kernel(x_ref, tgt_ref, mask_ref, out_ref):
    i = pl.program_id(0)
    x = x_ref[...]
    m = mask_ref[...]
    t = tgt_ref[0, 0, :]

    mf = m.astype(jnp.float32)
    cnt = jnp.float32(SIZE) - jnp.sum(mf, axis=1)
    rowsum = jnp.sum(x, axis=1)
    sv = jnp.sum(jnp.where(m, x, 0.0), axis=1)
    su = rowsum - sv

    col = jax.lax.broadcasted_iota(jnp.int32, (ROWS, SIZE), 1)
    onehot = col == t[:, None]
    x_t = jnp.sum(jnp.where(onehot, x, 0.0), axis=1)
    v_t = jnp.sum(jnp.where(onehot, mf, 0.0), axis=1)

    has_unv = cnt > 0.0
    s = SMOOTHING / jnp.maximum(cnt, 1.0)
    log_s = jnp.log(s)
    base = -sv + jnp.where(has_unv, SMOOTHING * log_s - s * su, 0.0)

    corr_vis = jnp.float32(1.9 * LOG19) - 0.9 * x_t
    sp = s + CONFIDENCE
    corr_unv = sp * jnp.log(sp) - s * log_s - 0.9 * x_t
    corr = jnp.where(v_t > 0.5, corr_vis, corr_unv)

    block_loss = jnp.sum(base + corr).reshape(1, 1)

    @pl.when(i == 0)
    def _init():
        out_ref[...] = jnp.zeros((1, 1), jnp.float32)

    out_ref[...] += block_loss


_sc_mesh = plsc.VectorSubcoreMesh(core_axis_name="c", subcore_axis_name="s")


@functools.partial(
    pl.kernel,
    mesh=_sc_mesh,
    out_type=jax.ShapeDtypeStruct((5, SC_T), jnp.float32),
    scratch_types=[
        pltpu.VMEM((CHUNK * SIZE,), jnp.float32),
        pltpu.VMEM((CHUNK * WORDS,), jnp.int32),
        pltpu.VMEM((RPT,), jnp.int32),
        pltpu.VMEM((5 * RPT,), jnp.float32),
    ],
    compiler_params=pltpu.CompilerParams(
        use_tc_tiling_on_sc=False,
        needs_layout_passes=False,
        skip_device_barrier=True,
    ),
)
def _sc_kernel(x_hbm, mw_hbm, tgt_hbm, out_hbm, xbuf, mwbuf, tbuf, obuf):
    wid = lax.axis_index("s") * 2 + lax.axis_index("c")
    row0 = TC_T + wid * RPT
    lane = lax.iota(jnp.int32, 16)
    zero = jnp.zeros((16,), jnp.float32)
    shiftv = (lane & 3) * 8
    widx = [(lane >> 2) + 4 * j for j in range(4)]
    in_bounds = jax.lax.GatherScatterMode.PROMISE_IN_BOUNDS
    bfly = [lane ^ k for k in (8, 4, 2, 1)]

    def hsum(v):
        for idx in bfly:
            v = v + v.at[idx].get(mode=in_bounds)
        return v

    pltpu.sync_copy(tgt_hbm.at[pl.ds(row0, RPT)], tbuf)

    def chunk_body(ch, carry):
        r0 = row0 + ch * CHUNK
        pltpu.sync_copy(x_hbm.at[pl.ds(r0 * SIZE, CHUNK * SIZE)], xbuf)
        pltpu.sync_copy(mw_hbm.at[pl.ds(r0 * WORDS, CHUNK * WORDS)], mwbuf)

        def row_body(rr, carry2):
            rsv, svv, mvv = carry2
            base_x = rr * SIZE
            base_w = rr * WORDS

            def g_body(g, acc):
                sv, rs, mv = acc
                wv = mwbuf[pl.ds(base_w + g * 16, 16)]
                for j in range(4):
                    xv = xbuf[pl.ds(base_x + g * 64 + j * 16, 16)]
                    wq = wv.at[widx[j]].get(mode=in_bounds)
                    mf = ((wq >> shiftv) & 1).astype(jnp.float32)
                    sv = sv + xv * mf
                    rs = rs + xv
                    mv = mv + mf
                return sv, rs, mv

            sv, rs, mv = lax.fori_loop(0, 16, g_body, (zero, zero, zero))

            here = lane == rr
            rsv = jnp.where(here, hsum(rs), rsv)
            svv = jnp.where(here, hsum(sv), svv)
            mvv = jnp.where(here, hsum(mv), mvv)
            return rsv, svv, mvv

        rsv, svv, mvv = lax.fori_loop(0, CHUNK, row_body,
                                      (zero, zero, zero))

        t16 = tbuf[pl.ds(ch * CHUNK, CHUNK)]
        xt16 = plsc.load_gather(xbuf, [lane * SIZE + t16])
        wt16 = plsc.load_gather(mwbuf, [lane * WORDS + (t16 >> 2)])
        vt16 = ((wt16 >> ((t16 & 3) * 8)) & 1).astype(jnp.float32)

        obase = ch * CHUNK
        obuf[pl.ds(obase, CHUNK)] = rsv
        obuf[pl.ds(RPT + obase, CHUNK)] = svv
        obuf[pl.ds(2 * RPT + obase, CHUNK)] = mvv
        obuf[pl.ds(3 * RPT + obase, CHUNK)] = xt16
        obuf[pl.ds(4 * RPT + obase, CHUNK)] = vt16
        return carry

    lax.fori_loop(0, NCHUNK, chunk_body, 0)

    for q in range(5):
        pltpu.sync_copy(
            obuf.at[pl.ds(q * RPT, RPT)],
            out_hbm.at[q, pl.ds(wid * RPT, RPT)],
        )


def _combine_kernel(red_ref, part_ref, out_ref):
    q = red_ref[...]
    rowsum = q[0]
    sv = q[1]
    mv = q[2]
    x_t = q[3]
    v_t = q[4]

    su = rowsum - sv
    cnt = jnp.float32(SIZE) - mv
    has_unv = cnt > 0.0
    s = SMOOTHING / jnp.maximum(cnt, 1.0)
    log_s = jnp.log(s)
    base = -sv + jnp.where(has_unv, SMOOTHING * log_s - s * su, 0.0)

    corr_vis = jnp.float32(1.9 * LOG19) - 0.9 * x_t
    sp = s + CONFIDENCE
    corr_unv = sp * jnp.log(sp) - s * log_s - 0.9 * x_t
    corr = jnp.where(v_t > 0.5, corr_vis, corr_unv)

    out_ref[...] = (jnp.sum(base + corr) + part_ref[0, 0]).reshape(1, 1)


@jax.jit
def kernel(x, target, visited_mask):
    mw = jax.lax.bitcast_convert_type(
        visited_mask.view(jnp.int8).reshape(T * WORDS, 4), jnp.int32
    )

    sc_out = _sc_kernel(x.reshape(T * SIZE), mw, target)

    nblk = TC_T // ROWS
    tgt3 = target.reshape(T // ROWS, 1, ROWS)
    tc_part = pl.pallas_call(
        _tc_kernel,
        grid=(nblk,),
        in_specs=[
            pl.BlockSpec((ROWS, SIZE), lambda i: (i, 0)),
            pl.BlockSpec((1, 1, ROWS), lambda i: (i, 0, 0)),
            pl.BlockSpec((ROWS, SIZE), lambda i: (i, 0)),
        ],
        out_specs=pl.BlockSpec((1, 1), lambda i: (0, 0)),
        out_shape=jax.ShapeDtypeStruct((1, 1), jnp.float32),
    )(x, tgt3, visited_mask)

    out = pl.pallas_call(
        _combine_kernel,
        out_shape=jax.ShapeDtypeStruct((1, 1), jnp.float32),
    )(sc_out.reshape(5, SC_T // 128, 128), tc_part)
    return out[0, 0]

# --- scband reference (transcript-rebuilt; emitter-appended) ---
"""Pipeline reference for scband-label-smoothing-24111946400053 (READ-ONLY COPY).

The authoritative reference and input builder live on the scoring server;
editing this copy changes nothing except your own understanding.
"""

import jax, jax.numpy as jnp
import numpy as np

SIZE = 1024
SMOOTHING = 0.1
CONFIDENCE = 1.0 - SMOOTHING
T = 16384


def setup_inputs(seed: int = 0) -> dict:
    key = jax.random.key(seed)
    k1, k2, k3 = jax.random.split(key, 3)
    # x plays the role of per-step log-probabilities over nodes
    x = jax.random.normal(k1, (T, SIZE), dtype=jnp.float32)
    target = jax.random.randint(k2, (T,), 0, SIZE)
    visited_mask = jax.random.randint(k3, (T, SIZE), 0, 2) > 0
    return {"x": x, "target": target, "visited_mask": visited_mask}


def reference(x, target, visited_mask):
    # Faithful translation of LabelSmoothing.forward
    t, node_size = x.shape
    not_visited = jnp.logical_not(visited_mask)
    # number of unvisited nodes per step, [T, 1]
    cnt = jnp.sum(not_visited, axis=-1, keepdims=True).astype(x.dtype)
    smoothing_dist = SMOOTHING / cnt  # [T, 1]
    # true_dist = ones; unvisited positions get the smoothing mass, visited stay 1
    true_dist = jnp.where(not_visited, jnp.broadcast_to(smoothing_dist, x.shape), jnp.ones_like(x))
    # add confidence at the target index of each row (scatter-add)
    true_dist = true_dist.at[jnp.arange(t), target].add(CONFIDENCE)
    # KLDivLoss(reduction='sum'): sum(target * (log(target) - input)), 0*log(0)=0
    pos = true_dist > 0
    safe_td = jnp.where(pos, true_dist, 1.0)
    loss_terms = jnp.where(pos, true_dist * (jnp.log(safe_td) - x), 0.0)
    return jnp.sum(loss_terms)

if __name__ == "__main__":
    import jax
    _d = setup_inputs()
    print(jax.jit(kernel)(*tuple(_d.values())))

</pallas_src>

<mosaic_0001>
#map = affine_map<(d0, d1) -> (0)>
#map1 = affine_map<(d0, d1) -> (0, 0)>
module attributes {stable_mosaic.version = 14 : i64} {
  func.func @_sc_kernel(%arg0: i32, %arg1: i32, %arg2: memref<16777216xf32, #tpu.memory_space<hbm>>, %arg3: memref<4194304xi32, #tpu.memory_space<hbm>>, %arg4: memref<16384xi32, #tpu.memory_space<hbm>>, %arg5: memref<5x1024xf32, #tpu.memory_space<hbm>>, %arg6: memref<16384xf32, #tpu.memory_space<vmem>>, %arg7: memref<4096xi32, #tpu.memory_space<vmem>>, %arg8: memref<32xi32, #tpu.memory_space<vmem>>, %arg9: memref<160xf32, #tpu.memory_space<vmem>>) attributes {dimension_semantics = [#tpu.dimension_semantics<core_parallel>, #tpu.dimension_semantics<subcore_parallel>], iteration_bounds = array<i64: 2, 16>, scalar_prefetch = 0 : i64, scratch_operands = 4 : i64, tpu.core_type = #tpu.core_type<sc_vector_subcore>, window_params = [{transform_indices = #map}, {transform_indices = #map}, {transform_indices = #map}, {transform_indices = #map1}]} {
    %mul3A = arith.constant 2 : i32
    %mul3A_0 = arith.muli %arg1, %mul3A : i32
    %add3A = arith.addi %mul3A_0, %arg0 : i32
    %mul3A_1 = arith.constant 32 : i32
    %mul3A_2 = arith.muli %add3A, %mul3A_1 : i32
    %add3A_3 = arith.constant 15360 : i32
    %add3A_4 = arith.addi %add3A_3, %mul3A_2 : i32
    %iota3A = tpu.iota {dimensions = array<i32: 0>} : vector<16xi32>
    %broadcast_in_dim3A = arith.constant 0.000000e+00 : f32
    %broadcast_in_dim3A_5 = vector.broadcast %broadcast_in_dim3A : f32 to vector<16xf32>
    %and3A = arith.constant 3 : i32
    %and3A_6 = vector.broadcast %and3A : i32 to vector<16xi32>
    %and3A_7 = arith.andi %iota3A, %and3A_6 : vector<16xi32>
    %mul3A_8 = arith.constant 8 : i32
    %mul3A_9 = vector.broadcast %mul3A_8 : i32 to vector<16xi32>
    %mul3A_10 = arith.muli %and3A_7, %mul3A_9 : vector<16xi32>
    %shift_right_arithmetic3A = arith.constant 2 : i32
    %shift_right_arithmetic3A_11 = vector.broadcast %shift_right_arithmetic3A : i32 to vector<16xi32>
    %shift_right_arithmetic3A_12 = arith.shrsi %iota3A, %shift_right_arithmetic3A_11 : vector<16xi32>
    %add3A_13 = arith.constant 0 : i32
    %add3A_14 = vector.broadcast %add3A_13 : i32 to vector<16xi32>
    %add3A_15 = arith.addi %shift_right_arithmetic3A_12, %add3A_14 : vector<16xi32>
    %shift_right_arithmetic3A_16 = arith.constant 2 : i32
    %shift_right_arithmetic3A_17 = vector.broadcast %shift_right_arithmetic3A_16 : i32 to vector<16xi32>
    %shift_right_arithmetic3A_18 = arith.shrsi %iota3A, %shift_right_arithmetic3A_17 : vector<16xi32>
    %add3A_19 = arith.constant 4 : i32
    %add3A_20 = vector.broadcast %add3A_19 : i32 to vector<16xi32>
    %add3A_21 = arith.addi %shift_right_arithmetic3A_18, %add3A_20 : vector<16xi32>
    %shift_right_arithmetic3A_22 = arith.constant 2 : i32
    %shift_right_arithmetic3A_23 = vector.broadcast %shift_right_arithmetic3A_22 : i32 to vector<16xi32>
    %shift_right_arithmetic3A_24 = arith.shrsi %iota3A, %shift_right_arithmetic3A_23 : vector<16xi32>
    %add3A_25 = arith.constant 8 : i32
    %add3A_26 = vector.broadcast %add3A_25 : i32 to vector<16xi32>
    %add3A_27 = arith.addi %shift_right_arithmetic3A_24, %add3A_26 : vector<16xi32>
    %shift_right_arithmetic3A_28 = arith.constant 2 : i32
    %shift_right_arithmetic3A_29 = vector.broadcast %shift_right_arithmetic3A_28 : i32 to vector<16xi32>
    %shift_right_arithmetic3A_30 = arith.shrsi %iota3A, %shift_right_arithmetic3A_29 : vector<16xi32>
    %add3A_31 = arith.constant 12 : i32
    %add3A_32 = vector.broadcast %add3A_31 : i32 to vector<16xi32>
    %add3A_33 = arith.addi %shift_right_arithmetic3A_30, %add3A_32 : vector<16xi32>
    %xor3A = arith.constant 8 : i32
    %xor3A_34 = vector.broadcast %xor3A : i32 to vector<16xi32>
    %xor3A_35 = arith.xori %iota3A, %xor3A_34 : vector<16xi32>
    %xor3A_36 = arith.constant 4 : i32
    %xor3A_37 = vector.broadcast %xor3A_36 : i32 to vector<16xi32>
    %xor3A_38 = arith.xori %iota3A, %xor3A_37 : vector<16xi32>
    %xor3A_39 = arith.constant 2 : i32
    %xor3A_40 = vector.broadcast %xor3A_39 : i32 to vector<16xi32>
    %xor3A_41 = arith.xori %iota3A, %xor3A_40 : vector<16xi32>
    %xor3A_42 = arith.constant 1 : i32
    %xor3A_43 = vector.broadcast %xor3A_42 : i32 to vector<16xi32>
    %xor3A_44 = arith.xori %iota3A, %xor3A_43 : vector<16xi32>
    "tpu.region"() ({
      %run_scoped3A_64 = tpu.sem_alloc : memref<!tpu.dma_semaphore, #tpu.memory_space<semaphore_mem>>
      %dma_start3A = tpu.memref_slice %arg4[%add3A_4] : memref<16384xi32, #tpu.memory_space<hbm>> -> memref<32xi32, #tpu.memory_space<hbm>>
      %dma_start3A_65 = tpu.memref_slice %arg4[%add3A_4] : memref<16384xi32, #tpu.memory_space<hbm>> -> memref<32xi32, #tpu.memory_space<hbm>>
      tpu.enqueue_dma source(%dma_start3A_65 : memref<32xi32, #tpu.memory_space<hbm>>) target(%arg8 : memref<32xi32, #tpu.memory_space<vmem>>) target_semaphore(%run_scoped3A_64 : memref<!tpu.dma_semaphore, #tpu.memory_space<semaphore_mem>>)
      %dma_wait3A = tpu.memref_slice %arg4[%add3A_4] : memref<16384xi32, #tpu.memory_space<hbm>> -> memref<32xi32, #tpu.memory_space<hbm>>
      %dma_wait3A_66 = tpu.memref_slice %arg4[%add3A_4] : memref<16384xi32, #tpu.memory_space<hbm>> -> memref<32xi32, #tpu.memory_space<hbm>>
      tpu.wait_dma2 semaphore(%run_scoped3A_64 : memref<!tpu.dma_semaphore, #tpu.memory_space<semaphore_mem>>) src(%dma_wait3A_66 : memref<32xi32, #tpu.memory_space<hbm>>) dst(%arg8 : memref<32xi32, #tpu.memory_space<vmem>>)
      tpu.yield
    }) : () -> ()
    %scan3A = arith.constant 0 : i32
    %scan3A_45 = arith.constant 0 : i32
    %scan3A_46 = arith.constant 2 : i32
    %scan3A_47 = arith.addi %scan3A_45, %scan3A_46 : i32
    %scan3A_48 = arith.constant 1 : i32
    scf.for %scan3A_64 = %scan3A_45 to %scan3A_47 step %scan3A_48  : i32 {
      %mul3A_65 = arith.constant 16 : i32
      %mul3A_66 = arith.muli %scan3A_64, %mul3A_65 : i32
      %add3A_67 = arith.addi %add3A_4, %mul3A_66 : i32
      %mul3A_68 = arith.constant 1024 : i32
      %mul3A_69 = arith.muli %add3A_67, %mul3A_68 : i32
      "tpu.region"() ({
        %run_scoped3A_122 = tpu.sem_alloc : memref<!tpu.dma_semaphore, #tpu.memory_space<semaphore_mem>>
        %dma_start3A = tpu.memref_slice %arg2[%mul3A_69] : memref<16777216xf32, #tpu.memory_space<hbm>> -> memref<16384xf32, #tpu.memory_space<hbm>>
        %dma_start3A_123 = tpu.memref_slice %arg2[%mul3A_69] : memref<16777216xf32, #tpu.memory_space<hbm>> -> memref<16384xf32, #tpu.memory_space<hbm>>
        tpu.enqueue_dma source(%dma_start3A_123 : memref<16384xf32, #tpu.memory_space<hbm>>) target(%arg6 : memref<16384xf32, #tpu.memory_space<vmem>>) target_semaphore(%run_scoped3A_122 : memref<!tpu.dma_semaphore, #tpu.memory_space<semaphore_mem>>)
        %dma_wait3A = tpu.memref_slice %arg2[%mul3A_69] : memref<16777216xf32, #tpu.memory_space<hbm>> -> memref<16384xf32, #tpu.memory_space<hbm>>
        %dma_wait3A_124 = tpu.memref_slice %arg2[%mul3A_69] : memref<16777216xf32, #tpu.memory_space<hbm>> -> memref<16384xf32, #tpu.memory_space<hbm>>
        tpu.wait_dma2 semaphore(%run_scoped3A_122 : memref<!tpu.dma_semaphore, #tpu.memory_space<semaphore_mem>>) src(%dma_wait3A_124 : memref<16384xf32, #tpu.memory_space<hbm>>) dst(%arg6 : memref<16384xf32, #tpu.memory_space<vmem>>)
        tpu.yield
      }) : () -> ()
      %mul3A_70 = arith.constant 256 : i32
      %mul3A_71 = arith.muli %add3A_67, %mul3A_70 : i32
      "tpu.region"() ({
        %run_scoped3A_122 = tpu.sem_alloc : memref<!tpu.dma_semaphore, #tpu.memory_space<semaphore_mem>>
        %dma_start3A = tpu.memref_slice %arg3[%mul3A_71] : memref<4194304xi32, #tpu.memory_space<hbm>> -> memref<4096xi32, #tpu.memory_space<hbm>>
        %dma_start3A_123 = tpu.memref_slice %arg3[%mul3A_71] : memref<4194304xi32, #tpu.memory_space<hbm>> -> memref<4096xi32, #tpu.memory_space<hbm>>
        tpu.enqueue_dma source(%dma_start3A_123 : memref<4096xi32, #tpu.memory_space<hbm>>) target(%arg7 : memref<4096xi32, #tpu.memory_space<vmem>>) target_semaphore(%run_scoped3A_122 : memref<!tpu.dma_semaphore, #tpu.memory_space<semaphore_mem>>)
        %dma_wait3A = tpu.memref_slice %arg3[%mul3A_71] : memref<4194304xi32, #tpu.memory_space<hbm>> -> memref<4096xi32, #tpu.memory_space<hbm>>
        %dma_wait3A_124 = tpu.memref_slice %arg3[%mul3A_71] : memref<4194304xi32, #tpu.memory_space<hbm>> -> memref<4096xi32, #tpu.memory_space<hbm>>
        tpu.wait_dma2 semaphore(%run_scoped3A_122 : memref<!tpu.dma_semaphore, #tpu.memory_space<semaphore_mem>>) src(%dma_wait3A_124 : memref<4096xi32, #tpu.memory_space<hbm>>) dst(%arg7 : memref<4096xi32, #tpu.memory_space<vmem>>)
        tpu.yield
      }) : () -> ()
      %scan3A_72 = arith.constant 0 : i32
      %scan3A_73 = arith.constant 16 : i32
      %scan3A_74 = arith.addi %scan3A_72, %scan3A_73 : i32
      %scan3A_75 = arith.constant 1 : i32
      %scan3A_76:3 = scf.for %scan3A_122 = %scan3A_72 to %scan3A_74 step %scan3A_75 iter_args(%scan3A_123 = %broadcast_in_dim3A_5, %scan3A_124 = %broadcast_in_dim3A_5, %scan3A_125 = %broadcast_in_dim3A_5) -> (vector<16xf32>, vector<16xf32>, vector<16xf32>)  : i32 {
        %mul3A_126 = arith.constant 1024 : i32
        %mul3A_127 = arith.muli %scan3A_122, %mul3A_126 : i32
        %mul3A_128 = arith.constant 256 : i32
        %mul3A_129 = arith.muli %scan3A_122, %mul3A_128 : i32
        %scan3A_130 = arith.constant 0 : i32
        %scan3A_131 = arith.constant 16 : i32
        %scan3A_132 = arith.addi %scan3A_130, %scan3A_131 : i32
        %scan3A_133 = arith.constant 1 : i32
        %scan3A_134:3 = scf.for %scan3A_270 = %scan3A_130 to %scan3A_132 step %scan3A_133 iter_args(%scan3A_271 = %broadcast_in_dim3A_5, %scan3A_272 = %broadcast_in_dim3A_5, %scan3A_273 = %broadcast_in_dim3A_5) -> (vector<16xf32>, vector<16xf32>, vector<16xf32>)  : i32 {
          %mul3A_274 = arith.constant 16 : i32
          %mul3A_275 = arith.muli %scan3A_270, %mul3A_274 : i32
          %add3A_276 = arith.addi %mul3A_129, %mul3A_275 : i32
          %get3A_277 = arith.index_cast %add3A_276 : i32 to index
          %get3A_278 = tpu.vector_load %arg7[%get3A_277] {strides = array<i32>} : memref<4096xi32, #tpu.memory_space<vmem>>, vector<16xi32>,
          %mul3A_279 = arith.constant 64 : i32
          %mul3A_280 = arith.muli %scan3A_270, %mul3A_279 : i32
          %add3A_281 = arith.addi %mul3A_127, %mul3A_280 : i32
          %add3A_282 = arith.constant 0 : i32
          %add3A_283 = arith.addi %add3A_281, %add3A_282 : i32
          %get3A_284 = arith.index_cast %add3A_283 : i32 to index
          %get3A_285 = tpu.vector_load %arg6[%get3A_284] {strides = array<i32>} : memref<16384xf32, #tpu.memory_space<vmem>>, vector<16xf32>,
          %lt3A_286 = arith.constant 0 : i32
          %lt3A_287 = vector.broadcast %lt3A_286 : i32 to vector<16xi32>
          %lt3A_288 = arith.cmpi slt, %add3A_15, %lt3A_287 : vector<16xi32>
          %add3A_289 = arith.constant 16 : i32
          %add3A_290 = vector.broadcast %add3A_289 : i32 to vector<16xi32>
          %add3A_291 = arith.addi %add3A_15, %add3A_290 : vector<16xi32>
          %select_n3A_292 = arith.select %lt3A_288, %add3A_291, %add3A_15 : vector<16xi1>, vector<16xi32>
          %broadcast_in_dim3A_293 = vector.shape_cast %select_n3A_292 : vector<16xi32> to vector<16x1xi32>
          %gather3A_294 = vector.shape_cast %broadcast_in_dim3A_293 : vector<16x1xi32> to vector<16xi32>
          %gather3A_295 = tpu.dynamic_gather %get3A_278[%gather3A_294] in [0] : vector<16xi32>, vector<16xi32> -> vector<16xi32>
          %shift_right_arithmetic3A_296 = arith.shrsi %gather3A_295, %mul3A_10 : vector<16xi32>
          %and3A_297 = arith.constant 1 : i32
          %and3A_298 = vector.broadcast %and3A_297 : i32 to vector<16xi32>
          %and3A_299 = arith.andi %shift_right_arithmetic3A_296, %and3A_298 : vector<16xi32>
          %convert_element_type3A_300 = arith.sitofp %and3A_299 : vector<16xi32> to vector<16xf32>
          %mul3A_301 = arith.mulf %get3A_285, %convert_element_type3A_300 : vector<16xf32>
          %add3A_302 = arith.addf %scan3A_271, %mul3A_301 : vector<16xf32>
          %add3A_303 = arith.addf %scan3A_272, %get3A_285 : vector<16xf32>
          %add3A_304 = arith.addf %scan3A_273, %convert_element_type3A_300 : vector<16xf32>
          %mul3A_305 = arith.constant 64 : i32
          %mul3A_306 = arith.muli %scan3A_270, %mul3A_305 : i32
          %add3A_307 = arith.addi %mul3A_127, %mul3A_306 : i32
          %add3A_308 = arith.constant 16 : i32
          %add3A_309 = arith.addi %add3A_307, %add3A_308 : i32
          %get3A_310 = arith.index_cast %add3A_309 : i32 to index
          %get3A_311 = tpu.vector_load %arg6[%get3A_310] {strides = array<i32>} : memref<16384xf32, #tpu.memory_space<vmem>>, vector<16xf32>,
          %lt3A_312 = arith.constant 0 : i32
          %lt3A_313 = vector.broadcast %lt3A_312 : i32 to vector<16xi32>
          %lt3A_314 = arith.cmpi slt, %add3A_21, %lt3A_313 : vector<16xi32>
          %add3A_315 = arith.constant 16 : i32
          %add3A_316 = vector.broadcast %add3A_315 : i32 to vector<16xi32>
          %add3A_317 = arith.addi %add3A_21, %add3A_316 : vector<16xi32>
          %select_n3A_318 = arith.select %lt3A_314, %add3A_317, %add3A_21 : vector<16xi1>, vector<16xi32>
          %broadcast_in_dim3A_319 = vector.shape_cast %select_n3A_318 : vector<16xi32> to vector<16x1xi32>
          %gather3A_320 = vector.shape_cast %broadcast_in_dim3A_319 : vector<16x1xi32> to vector<16xi32>
          %gather3A_321 = tpu.dynamic_gather %get3A_278[%gather3A_320] in [0] : vector<16xi32>, vector<16xi32> -> vector<16xi32>
          %shift_right_arithmetic3A_322 = arith.shrsi %gather3A_321, %mul3A_10 : vector<16xi32>
          %and3A_323 = arith.constant 1 : i32
          %and3A_324 = vector.broadcast %and3A_323 : i32 to vector<16xi32>
          %and3A_325 = arith.andi %shift_right_arithmetic3A_322, %and3A_324 : vector<16xi32>
          %convert_element_type3A_326 = arith.sitofp %and3A_325 : vector<16xi32> to vector<16xf32>
          %mul3A_327 = arith.mulf %get3A_311, %convert_element_type3A_326 : vector<16xf32>
          %add3A_328 = arith.addf %add3A_302, %mul3A_327 : vector<16xf32>
          %add3A_329 = arith.addf %add3A_303, %get3A_311 : vector<16xf32>
          %add3A_330 = arith.addf %add3A_304, %convert_element_type3A_326 : vector<16xf32>
          %mul3A_331 = arith.constant 64 : i32
          %mul3A_332 = arith.muli %scan3A_270, %mul3A_331 : i32
          %add3A_333 = arith.addi %mul3A_127, %mul3A_332 : i32
          %add3A_334 = arith.constant 32 : i32
          %add3A_335 = arith.addi %add3A_333, %add3A_334 : i32
          %get3A_336 = arith.index_cast %add3A_335 : i32 to index
          %get3A_337 = tpu.vector_load %arg6[%get3A_336] {strides = array<i32>} : memref<16384xf32, #tpu.memory_space<vmem>>, vector<16xf32>,
          %lt3A_338 = arith.constant 0 : i32
          %lt3A_339 = vector.broadcast %lt3A_338 : i32 to vector<16xi32>
          %lt3A_340 = arith.cmpi slt, %add3A_27, %lt3A_339 : vector<16xi32>
          %add3A_341 = arith.constant 16 : i32
          %add3A_342 = vector.broadcast %add3A_341 : i32 to vector<16xi32>
          %add3A_343 = arith.addi %add3A_27, %add3A_342 : vector<16xi32>
          %select_n3A_344 = arith.select %lt3A_340, %add3A_343, %add3A_27 : vector<16xi1>, vector<16xi32>
          %broadcast_in_dim3A_345 = vector.shape_cast %select_n3A_344 : vector<16xi32> to vector<16x1xi32>
          %gather3A_346 = vector.shape_cast %broadcast_in_dim3A_345 : vector<16x1xi32> to vector<16xi32>
          %gather3A_347 = tpu.dynamic_gather %get3A_278[%gather3A_346] in [0] : vector<16xi32>, vector<16xi32> -> vector<16xi32>
          %shift_right_arithmetic3A_348 = arith.shrsi %gather3A_347, %mul3A_10 : vector<16xi32>
          %and3A_349 = arith.constant 1 : i32
          %and3A_350 = vector.broadcast %and3A_349 : i32 to vector<16xi32>
          %and3A_351 = arith.andi %shift_right_arithmetic3A_348, %and3A_350 : vector<16xi32>
          %convert_element_type3A_352 = arith.sitofp %and3A_351 : vector<16xi32> to vector<16xf32>
          %mul3A_353 = arith.mulf %get3A_337, %convert_element_type3A_352 : vector<16xf32>
          %add3A_354 = arith.addf %add3A_328, %mul3A_353 : vector<16xf32>
          %add3A_355 = arith.addf %add3A_329, %get3A_337 : vector<16xf32>
          %add3A_356 = arith.addf %add3A_330, %convert_element_type3A_352 : vector<16xf32>
          %mul3A_357 = arith.constant 64 : i32
          %mul3A_358 = arith.muli %scan3A_270, %mul3A_357 : i32
          %add3A_359 = arith.addi %mul3A_127, %mul3A_358 : i32
          %add3A_360 = arith.constant 48 : i32
          %add3A_361 = arith.addi %add3A_359, %add3A_360 : i32
          %get3A_362 = arith.index_cast %add3A_361 : i32 to index
          %get3A_363 = tpu.vector_load %arg6[%get3A_362] {strides = array<i32>} : memref<16384xf32, #tpu.memory_space<vmem>>, vector<16xf32>,
          %lt3A_364 = arith.constant 0 : i32
          %lt3A_365 = vector.broadcast %lt3A_364 : i32 to vector<16xi32>
          %lt3A_366 = arith.cmpi slt, %add3A_33, %lt3A_365 : vector<16xi32>
          %add3A_367 = arith.constant 16 : i32
          %add3A_368 = vector.broadcast %add3A_367 : i32 to vector<16xi32>
          %add3A_369 = arith.addi %add3A_33, %add3A_368 : vector<16xi32>
          %select_n3A_370 = arith.select %lt3A_366, %add3A_369, %add3A_33 : vector<16xi1>, vector<16xi32>
          %broadcast_in_dim3A_371 = vector.shape_cast %select_n3A_370 : vector<16xi32> to vector<16x1xi32>
          %gather3A_372 = vector.shape_cast %broadcast_in_dim3A_371 : vector<16x1xi32> to vector<16xi32>
          %gather3A_373 = tpu.dynamic_gather %get3A_278[%gather3A_372] in [0] : vector<16xi32>, vector<16xi32> -> vector<16xi32>
          %shift_right_arithmetic3A_374 = arith.shrsi %gather3A_373, %mul3A_10 : vector<16xi32>
          %and3A_375 = arith.constant 1 : i32
          %and3A_376 = vector.broadcast %and3A_375 : i32 to vector<16xi32>
          %and3A_377 = arith.andi %shift_right_arithmetic3A_374, %and3A_376 : vector<16xi32>
          %convert_element_type3A_378 = arith.sitofp %and3A_377 : vector<16xi32> to vector<16xf32>
          %mul3A_379 = arith.mulf %get3A_363, %convert_element_type3A_378 : vector<16xf32>
          %add3A_380 = arith.addf %add3A_354, %mul3A_379 : vector<16xf32>
          %add3A_381 = arith.addf %add3A_355, %get3A_363 : vector<16xf32>
          %add3A_382 = arith.addf %add3A_356, %convert_element_type3A_378 : vector<16xf32>
          scf.yield %add3A_380, %add3A_381, %add3A_382 : vector<16xf32>, vector<16xf32>, vector<16xf32>
        }
        %scan3A_135 = arith.constant 16 : i32
        %eq3A = vector.broadcast %scan3A_122 : i32 to vector<16xi32>
        %eq3A_136 = arith.cmpi eq, %iota3A, %eq3A : vector<16xi32>
        %lt3A = arith.constant 0 : i32
        %lt3A_137 = vector.broadcast %lt3A : i32 to vector<16xi32>
        %lt3A_138 = arith.cmpi slt, %xor3A_35, %lt3A_137 : vector<16xi32>
        %add3A_139 = arith.constant 16 : i32
        %add3A_140 = vector.broadcast %add3A_139 : i32 to vector<16xi32>
        %add3A_141 = arith.addi %xor3A_35, %add3A_140 : vector<16xi32>
        %select_n3A = arith.select %lt3A_138, %add3A_141, %xor3A_35 : vector<16xi1>, vector<16xi32>
        %broadcast_in_dim3A_142 = vector.shape_cast %select_n3A : vector<16xi32> to vector<16x1xi32>
        %gather3A_143 = vector.shape_cast %broadcast_in_dim3A_142 : vector<16x1xi32> to vector<16xi32>
        %gather3A_144 = tpu.dynamic_gather %scan3A_134#1[%gather3A_143] in [0] : vector<16xf32>, vector<16xi32> -> vector<16xf32>
        %add3A_145 = arith.addf %scan3A_134#1, %gather3A_144 : vector<16xf32>
        %lt3A_146 = arith.constant 0 : i32
        %lt3A_147 = vector.broadcast %lt3A_146 : i32 to vector<16xi32>
        %lt3A_148 = arith.cmpi slt, %xor3A_38, %lt3A_147 : vector<16xi32>
        %add3A_149 = arith.constant 16 : i32
        %add3A_150 = vector.broadcast %add3A_149 : i32 to vector<16xi32>
        %add3A_151 = arith.addi %xor3A_38, %add3A_150 : vector<16xi32>
        %select_n3A_152 = arith.select %lt3A_148, %add3A_151, %xor3A_38 : vector<16xi1>, vector<16xi32>
        %broadcast_in_dim3A_153 = vector.shape_cast %select_n3A_152 : vector<16xi32> to vector<16x1xi32>
        %gather3A_154 = vector.shape_cast %broadcast_in_dim3A_153 : vector<16x1xi32> to vector<16xi32>
        %gather3A_155 = tpu.dynamic_gather %add3A_145[%gather3A_154] in [0] : vector<16xf32>, vector<16xi32> -> vector<16xf32>
        %add3A_156 = arith.addf %add3A_145, %gather3A_155 : vector<16xf32>
        %lt3A_157 = arith.constant 0 : i32
        %lt3A_158 = vector.broadcast %lt3A_157 : i32 to vector<16xi32>
        %lt3A_159 = arith.cmpi slt, %xor3A_41, %lt3A_158 : vector<16xi32>
        %add3A_160 = arith.constant 16 : i32
        %add3A_161 = vector.broadcast %add3A_160 : i32 to vector<16xi32>
        %add3A_162 = arith.addi %xor3A_41, %add3A_161 : vector<16xi32>
        %select_n3A_163 = arith.select %lt3A_159, %add3A_162, %xor3A_41 : vector<16xi1>, vector<16xi32>
        %broadcast_in_dim3A_164 = vector.shape_cast %select_n3A_163 : vector<16xi32> to vector<16x1xi32>
        %gather3A_165 = vector.shape_cast %broadcast_in_dim3A_164 : vector<16x1xi32> to vector<16xi32>
        %gather3A_166 = tpu.dynamic_gather %add3A_156[%gather3A_165] in [0] : vector<16xf32>, vector<16xi32> -> vector<16xf32>
        %add3A_167 = arith.addf %add3A_156, %gather3A_166 : vector<16xf32>
        %lt3A_168 = arith.constant 0 : i32
        %lt3A_169 = vector.broadcast %lt3A_168 : i32 to vector<16xi32>
        %lt3A_170 = arith.cmpi slt, %xor3A_44, %lt3A_169 : vector<16xi32>
        %add3A_171 = arith.constant 16 : i32
        %add3A_172 = vector.broadcast %add3A_171 : i32 to vector<16xi32>
        %add3A_173 = arith.addi %xor3A_44, %add3A_172 : vector<16xi32>
        %select_n3A_174 = arith.select %lt3A_170, %add3A_173, %xor3A_44 : vector<16xi1>, vector<16xi32>
        %broadcast_in_dim3A_175 = vector.shape_cast %select_n3A_174 : vector<16xi32> to vector<16x1xi32>
        %gather3A_176 = vector.shape_cast %broadcast_in_dim3A_175 : vector<16x1xi32> to vector<16xi32>
        %gather3A_177 = tpu.dynamic_gather %add3A_167[%gather3A_176] in [0] : vector<16xf32>, vector<16xi32> -> vector<16xf32>
        %add3A_178 = arith.addf %add3A_167, %gather3A_177 : vector<16xf32>
        %select_n3A_179 = arith.select %eq3A_136, %add3A_178, %scan3A_123 : vector<16xi1>, vector<16xf32>
        %lt3A_180 = arith.constant 0 : i32
        %lt3A_181 = vector.broadcast %lt3A_180 : i32 to vector<16xi32>
        %lt3A_182 = arith.cmpi slt, %xor3A_35, %lt3A_181 : vector<16xi32>
        %add3A_183 = arith.constant 16 : i32
        %add3A_184 = vector.broadcast %add3A_183 : i32 to vector<16xi32>
        %add3A_185 = arith.addi %xor3A_35, %add3A_184 : vector<16xi32>
        %select_n3A_186 = arith.select %lt3A_182, %add3A_185, %xor3A_35 : vector<16xi1>, vector<16xi32>
        %broadcast_in_dim3A_187 = vector.shape_cast %select_n3A_186 : vector<16xi32> to vector<16x1xi32>
        %gather3A_188 = vector.shape_cast %broadcast_in_dim3A_187 : vector<16x1xi32> to vector<16xi32>
        %gather3A_189 = tpu.dynamic_gather %scan3A_134#0[%gather3A_188] in [0] : vector<16xf32>, vector<16xi32> -> vector<16xf32>
        %add3A_190 = arith.addf %scan3A_134#0, %gather3A_189 : vector<16xf32>
        %lt3A_191 = arith.constant 0 : i32
        %lt3A_192 = vector.broadcast %lt3A_191 : i32 to vector<16xi32>
        %lt3A_193 = arith.cmpi slt, %xor3A_38, %lt3A_192 : vector<16xi32>
        %add3A_194 = arith.constant 16 : i32
        %add3A_195 = vector.broadcast %add3A_194 : i32 to vector<16xi32>
        %add3A_196 = arith.addi %xor3A_38, %add3A_195 : vector<16xi32>
        %select_n3A_197 = arith.select %lt3A_193, %add3A_196, %xor3A_38 : vector<16xi1>, vector<16xi32>
        %broadcast_in_dim3A_198 = vector.shape_cast %select_n3A_197 : vector<16xi32> to vector<16x1xi32>
        %gather3A_199 = vector.shape_cast %broadcast_in_dim3A_198 : vector<16x1xi32> to vector<16xi32>
        %gather3A_200 = tpu.dynamic_gather %add3A_190[%gather3A_199] in [0] : vector<16xf32>, vector<16xi32> -> vector<16xf32>
        %add3A_201 = arith.addf %add3A_190, %gather3A_200 : vector<16xf32>
        %lt3A_202 = arith.constant 0 : i32
        %lt3A_203 = vector.broadcast %lt3A_202 : i32 to vector<16xi32>
        %lt3A_204 = arith.cmpi slt, %xor3A_41, %lt3A_203 : vector<16xi32>
        %add3A_205 = arith.constant 16 : i32
        %add3A_206 = vector.broadcast %add3A_205 : i32 to vector<16xi32>
        %add3A_207 = arith.addi %xor3A_41, %add3A_206 : vector<16xi32>
        %select_n3A_208 = arith.select %lt3A_204, %add3A_207, %xor3A_41 : vector<16xi1>, vector<16xi32>
        %broadcast_in_dim3A_209 = vector.shape_cast %select_n3A_208 : vector<16xi32> to vector<16x1xi32>
        %gather3A_210 = vector.shape_cast %broadcast_in_dim3A_209 : vector<16x1xi32> to vector<16xi32>
        %gather3A_211 = tpu.dynamic_gather %add3A_201[%gather3A_210] in [0] : vector<16xf32>, vector<16xi32> -> vector<16xf32>
        %add3A_212 = arith.addf %add3A_201, %gather3A_211 : vector<16xf32>
        %lt3A_213 = arith.constant 0 : i32
        %lt3A_214 = vector.broadcast %lt3A_213 : i32 to vector<16xi32>
        %lt3A_215 = arith.cmpi slt, %xor3A_44, %lt3A_214 : vector<16xi32>
        %add3A_216 = arith.constant 16 : i32
        %add3A_217 = vector.broadcast %add3A_216 : i32 to vector<16xi32>
        %add3A_218 = arith.addi %xor3A_44, %add3A_217 : vector<16xi32>
        %select_n3A_219 = arith.select %lt3A_215, %add3A_218, %xor3A_44 : vector<16xi1>, vector<16xi32>
        %broadcast_in_dim3A_220 = vector.shape_cast %select_n3A_219 : vector<16xi32> to vector<16x1xi32>
        %gather3A_221 = vector.shape_cast %broadcast_in_dim3A_220 : vector<16x1xi32> to vector<16xi32>
        %gather3A_222 = tpu.dynamic_gather %add3A_212[%gather3A_221] in [0] : vector<16xf32>, vector<16xi32> -> vector<16xf32>
        %add3A_223 = arith.addf %add3A_212, %gather3A_222 : vector<16xf32>
        %select_n3A_224 = arith.select %eq3A_136, %add3A_223, %scan3A_124 : vector<16xi1>, vector<16xf32>
        %lt3A_225 = arith.constant 0 : i32
        %lt3A_226 = vector.broadcast %lt3A_225 : i32 to vector<16xi32>
        %lt3A_227 = arith.cmpi slt, %xor3A_35, %lt3A_226 : vector<16xi32>
        %add3A_228 = arith.constant 16 : i32
        %add3A_229 = vector.broadcast %add3A_228 : i32 to vector<16xi32>
        %add3A_230 = arith.addi %xor3A_35, %add3A_229 : vector<16xi32>
        %select_n3A_231 = arith.select %lt3A_227, %add3A_230, %xor3A_35 : vector<16xi1>, vector<16xi32>
        %broadcast_in_dim3A_232 = vector.shape_cast %select_n3A_231 : vector<16xi32> to vector<16x1xi32>
        %gather3A_233 = vector.shape_cast %broadcast_in_dim3A_232 : vector<16x1xi32> to vector<16xi32>
        %gather3A_234 = tpu.dynamic_gather %scan3A_134#2[%gather3A_233] in [0] : vector<16xf32>, vector<16xi32> -> vector<16xf32>
        %add3A_235 = arith.addf %scan3A_134#2, %gather3A_234 : vector<16xf32>
        %lt3A_236 = arith.constant 0 : i32
        %lt3A_237 = vector.broadcast %lt3A_236 : i32 to vector<16xi32>
        %lt3A_238 = arith.cmpi slt, %xor3A_38, %lt3A_237 : vector<16xi32>
        %add3A_239 = arith.constant 16 : i32
        %add3A_240 = vector.broadcast %add3A_239 : i32 to vector<16xi32>
        %add3A_241 = arith.addi %xor3A_38, %add3A_240 : vector<16xi32>
        %select_n3A_242 = arith.select %lt3A_238, %add3A_241, %xor3A_38 : vector<16xi1>, vector<16xi32>
        %broadcast_in_dim3A_243 = vector.shape_cast %select_n3A_242 : vector<16xi32> to vector<16x1xi32>
        %gather3A_244 = vector.shape_cast %broadcast_in_dim3A_243 : vector<16x1xi32> to vector<16xi32>
        %gather3A_245 = tpu.dynamic_gather %add3A_235[%gather3A_244] in [0] : vector<16xf32>, vector<16xi32> -> vector<16xf32>
        %add3A_246 = arith.addf %add3A_235, %gather3A_245 : vector<16xf32>
        %lt3A_247 = arith.constant 0 : i32
        %lt3A_248 = vector.broadcast %lt3A_247 : i32 to vector<16xi32>
        %lt3A_249 = arith.cmpi slt, %xor3A_41, %lt3A_248 : vector<16xi32>
        %add3A_250 = arith.constant 16 : i32
        %add3A_251 = vector.broadcast %add3A_250 : i32 to vector<16xi32>
        %add3A_252 = arith.addi %xor3A_41, %add3A_251 : vector<16xi32>
        %select_n3A_253 = arith.select %lt3A_249, %add3A_252, %xor3A_41 : vector<16xi1>, vector<16xi32>
        %broadcast_in_dim3A_254 = vector.shape_cast %select_n3A_253 : vector<16xi32> to vector<16x1xi32>
        %gather3A_255 = vector.shape_cast %broadcast_in_dim3A_254 : vector<16x1xi32> to vector<16xi32>
        %gather3A_256 = tpu.dynamic_gather %add3A_246[%gather3A_255] in [0] : vector<16xf32>, vector<16xi32> -> vector<16xf32>
        %add3A_257 = arith.addf %add3A_246, %gather3A_256 : vector<16xf32>
        %lt3A_258 = arith.constant 0 : i32
        %lt3A_259 = vector.broadcast %lt3A_258 : i32 to vector<16xi32>
        %lt3A_260 = arith.cmpi slt, %xor3A_44, %lt3A_259 : vector<16xi32>
        %add3A_261 = arith.constant 16 : i32
        %add3A_262 = vector.broadcast %add3A_261 : i32 to vector<16xi32>
        %add3A_263 = arith.addi %xor3A_44, %add3A_262 : vector<16xi32>
        %select_n3A_264 = arith.select %lt3A_260, %add3A_263, %xor3A_44 : vector<16xi1>, vector<16xi32>
        %broadcast_in_dim3A_265 = vector.shape_cast %select_n3A_264 : vector<16xi32> to vector<16x1xi32>
        %gather3A_266 = vector.shape_cast %broadcast_in_dim3A_265 : vector<16x1xi32> to vector<16xi32>
        %gather3A_267 = tpu.dynamic_gather %add3A_257[%gather3A_266] in [0] : vector<16xf32>, vector<16xi32> -> vector<16xf32>
        %add3A_268 = arith.addf %add3A_257, %gather3A_267 : vector<16xf32>
        %select_n3A_269 = arith.select %eq3A_136, %add3A_268, %scan3A_125 : vector<16xi1>, vector<16xf32>
        scf.yield %select_n3A_179, %select_n3A_224, %select_n3A_269 : vector<16xf32>, vector<16xf32>, vector<16xf32>
      }
      %scan3A_77 = arith.constant 16 : i32
      %mul3A_78 = arith.constant 16 : i32
      %mul3A_79 = arith.muli %scan3A_64, %mul3A_78 : i32
      %get3A = arith.index_cast %mul3A_79 : i32 to index
      %get3A_80 = tpu.vector_load %arg8[%get3A] {strides = array<i32>} : memref<32xi32, #tpu.memory_space<vmem>>, vector<16xi32>,
      %mul3A_81 = arith.constant 1024 : i32
      %mul3A_82 = vector.broadcast %mul3A_81 : i32 to vector<16xi32>
      %mul3A_83 = arith.muli %iota3A, %mul3A_82 : vector<16xi32>
      %add3A_84 = arith.addi %mul3A_83, %get3A_80 : vector<16xi32>
      %gather3A = tpu.vector_load_idx %arg6[%add3A_84] : memref<16384xf32, #tpu.memory_space<vmem>>[vector<16xi32>], vector<16xf32>,
      %mul3A_85 = arith.constant 256 : i32
      %mul3A_86 = vector.broadcast %mul3A_85 : i32 to vector<16xi32>
      %mul3A_87 = arith.muli %iota3A, %mul3A_86 : vector<16xi32>
      %shift_right_arithmetic3A_88 = arith.constant 2 : i32
      %shift_right_arithmetic3A_89 = vector.broadcast %shift_right_arithmetic3A_88 : i32 to vector<16xi32>
      %shift_right_arithmetic3A_90 = arith.shrsi %get3A_80, %shift_right_arithmetic3A_89 : vector<16xi32>
      %add3A_91 = arith.addi %mul3A_87, %shift_right_arithmetic3A_90 : vector<16xi32>
      %gather3A_92 = tpu.vector_load_idx %arg7[%add3A_91] : memref<4096xi32, #tpu.memory_space<vmem>>[vector<16xi32>], vector<16xi32>,
      %and3A_93 = arith.constant 3 : i32
      %and3A_94 = vector.broadcast %and3A_93 : i32 to vector<16xi32>
      %and3A_95 = arith.andi %get3A_80, %and3A_94 : vector<16xi32>
      %mul3A_96 = arith.constant 8 : i32
      %mul3A_97 = vector.broadcast %mul3A_96 : i32 to vector<16xi32>
      %mul3A_98 = arith.muli %and3A_95, %mul3A_97 : vector<16xi32>
      %shift_right_arithmetic3A_99 = arith.shrsi %gather3A_92, %mul3A_98 : vector<16xi32>
      %and3A_100 = arith.constant 1 : i32
      %and3A_101 = vector.broadcast %and3A_100 : i32 to vector<16xi32>
      %and3A_102 = arith.andi %shift_right_arithmetic3A_99, %and3A_101 : vector<16xi32>
      %convert_element_type3A = arith.sitofp %and3A_102 : vector<16xi32> to vector<16xf32>
      %mul3A_103 = arith.constant 16 : i32
      %mul3A_104 = arith.muli %scan3A_64, %mul3A_103 : i32
      %swap3A = arith.index_cast %mul3A_104 : i32 to index
      %swap3A_105 = tpu.vector_load %arg9[%swap3A] {strides = array<i32>} : memref<160xf32, #tpu.memory_space<vmem>>, vector<16xf32>,
      tpu.vector_store %arg9[%swap3A], %scan3A_76#0 {strides = array<i32>} : memref<160xf32, #tpu.memory_space<vmem>>, vector<16xf32>,
      %add3A_106 = arith.constant 32 : i32
      %add3A_107 = arith.addi %add3A_106, %mul3A_104 : i32
      %swap3A_108 = arith.index_cast %add3A_107 : i32 to index
      %swap3A_109 = tpu.vector_load %arg9[%swap3A_108] {strides = array<i32>} : memref<160xf32, #tpu.memory_space<vmem>>, vector<16xf32>,
      tpu.vector_store %arg9[%swap3A_108], %scan3A_76#1 {strides = array<i32>} : memref<160xf32, #tpu.memory_space<vmem>>, vector<16xf32>,
      %add3A_110 = arith.constant 64 : i32
      %add3A_111 = arith.addi %add3A_110, %mul3A_104 : i32
      %swap3A_112 = arith.index_cast %add3A_111 : i32 to index
      %swap3A_113 = tpu.vector_load %arg9[%swap3A_112] {strides = array<i32>} : memref<160xf32, #tpu.memory_space<vmem>>, vector<16xf32>,
      tpu.vector_store %arg9[%swap3A_112], %scan3A_76#2 {strides = array<i32>} : memref<160xf32, #tpu.memory_space<vmem>>, vector<16xf32>,
      %add3A_114 = arith.constant 96 : i32
      %add3A_115 = arith.addi %add3A_114, %mul3A_104 : i32
      %swap3A_116 = arith.index_cast %add3A_115 : i32 to index
      %swap3A_117 = tpu.vector_load %arg9[%swap3A_116] {strides = array<i32>} : memref<160xf32, #tpu.memory_space<vmem>>, vector<16xf32>,
      tpu.vector_store %arg9[%swap3A_116], %gather3A {strides = array<i32>} : memref<160xf32, #tpu.memory_space<vmem>>, vector<16xf32>,
      %add3A_118 = arith.constant 128 : i32
      %add3A_119 = arith.addi %add3A_118, %mul3A_104 : i32
      %swap3A_120 = arith.index_cast %add3A_119 : i32 to index
      %swap3A_121 = tpu.vector_load %arg9[%swap3A_120] {strides = array<i32>} : memref<160xf32, #tpu.memory_space<vmem>>, vector<16xf32>,
      tpu.vector_store %arg9[%swap3A_120], %convert_element_type3A {strides = array<i32>} : memref<160xf32, #tpu.memory_space<vmem>>, vector<16xf32>,
    }
    %scan3A_49 = arith.constant 2 : i32
    %mul3A_50 = arith.constant 32 : i32
    %mul3A_51 = arith.muli %add3A, %mul3A_50 : i32
    %run_scoped3A = arith.constant 0 : i32
    "tpu.region"() ({
      %run_scoped3A_64 = tpu.sem_alloc : memref<!tpu.dma_semaphore, #tpu.memory_space<semaphore_mem>>
      %dma_start3A = arith.constant 0 : i32
      %dma_start3A_65 = tpu.memref_slice %arg9[%dma_start3A] : memref<160xf32, #tpu.memory_space<vmem>> -> memref<32xf32, #tpu.memory_space<vmem>>
      %dma_start3A_66 = tpu.memref_slice %arg5[%run_scoped3A, %mul3A_51] : memref<5x1024xf32, #tpu.memory_space<hbm>> -> memref<1x32xf32, #tpu.memory_space<hbm>>
      %dma_start3A_67 = tpu.memref_squeeze %dma_start3A_66 : memref<1x32xf32, #tpu.memory_space<hbm>> -> memref<32xf32, #tpu.memory_space<hbm>>
      %dma_start3A_68 = tpu.memref_slice %arg5[%run_scoped3A, %mul3A_51] : memref<5x1024xf32, #tpu.memory_space<hbm>> -> memref<1x32xf32, #tpu.memory_space<hbm>>
      %dma_start3A_69 = tpu.memref_squeeze %dma_start3A_68 : memref<1x32xf32, #tpu.memory_space<hbm>> -> memref<32xf32, #tpu.memory_space<hbm>>
      %dma_start3A_70 = arith.constant 0 : i32
      %dma_start3A_71 = tpu.memref_slice %arg9[%dma_start3A_70] : memref<160xf32, #tpu.memory_space<vmem>> -> memref<32xf32, #tpu.memory_space<vmem>>
      tpu.enqueue_dma source(%dma_start3A_71 : memref<32xf32, #tpu.memory_space<vmem>>) target(%dma_start3A_69 : memref<32xf32, #tpu.memory_space<hbm>>) target_semaphore(%run_scoped3A_64 : memref<!tpu.dma_semaphore, #tpu.memory_space<semaphore_mem>>)
      %dma_wait3A = arith.constant 0 : i32
      %dma_wait3A_72 = tpu.memref_slice %arg9[%dma_wait3A] : memref<160xf32, #tpu.memory_space<vmem>> -> memref<32xf32, #tpu.memory_space<vmem>>
      %dma_wait3A_73 = tpu.memref_slice %arg5[%run_scoped3A, %mul3A_51] : memref<5x1024xf32, #tpu.memory_space<hbm>> -> memref<1x32xf32, #tpu.memory_space<hbm>>
      %dma_wait3A_74 = tpu.memref_squeeze %dma_wait3A_73 : memref<1x32xf32, #tpu.memory_space<hbm>> -> memref<32xf32, #tpu.memory_space<hbm>>
      %dma_wait3A_75 = tpu.memref_slice %arg5[%run_scoped3A, %mul3A_51] : memref<5x1024xf32, #tpu.memory_space<hbm>> -> memref<1x32xf32, #tpu.memory_space<hbm>>
      %dma_wait3A_76 = tpu.memref_squeeze %dma_wait3A_75 : memref<1x32xf32, #tpu.memory_space<hbm>> -> memref<32xf32, #tpu.memory_space<hbm>>
      %dma_wait3A_77 = arith.constant 0 : i32
      %dma_wait3A_78 = tpu.memref_slice %arg9[%dma_wait3A_77] : memref<160xf32, #tpu.memory_space<vmem>> -> memref<32xf32, #tpu.memory_space<vmem>>
      tpu.wait_dma2 semaphore(%run_scoped3A_64 : memref<!tpu.dma_semaphore, #tpu.memory_space<semaphore_mem>>) src(%dma_wait3A_78 : memref<32xf32, #tpu.memory_space<vmem>>) dst(%dma_wait3A_76 : memref<32xf32, #tpu.memory_space<hbm>>)
      tpu.yield
    }) : () -> ()
    %mul3A_52 = arith.constant 32 : i32
    %mul3A_53 = arith.muli %add3A, %mul3A_52 : i32
    %run_scoped3A_54 = arith.constant 1 : i32
    "tpu.region"() ({
      %run_scoped3A_64 = tpu.sem_alloc : memref<!tpu.dma_semaphore, #tpu.memory_space<semaphore_mem>>
      %dma_start3A = arith.constant 32 : i32
      %dma_start3A_65 = tpu.memref_slice %arg9[%dma_start3A] : memref<160xf32, #tpu.memory_space<vmem>> -> memref<32xf32, #tpu.memory_space<vmem>>
      %dma_start3A_66 = tpu.memref_slice %arg5[%run_scoped3A_54, %mul3A_53] : memref<5x1024xf32, #tpu.memory_space<hbm>> -> memref<1x32xf32, #tpu.memory_space<hbm>>
      %dma_start3A_67 = tpu.memref_squeeze %dma_start3A_66 : memref<1x32xf32, #tpu.memory_space<hbm>> -> memref<32xf32, #tpu.memory_space<hbm>>
      %dma_start3A_68 = tpu.memref_slice %arg5[%run_scoped3A_54, %mul3A_53] : memref<5x1024xf32, #tpu.memory_space<hbm>> -> memref<1x32xf32, #tpu.memory_space<hbm>>
      %dma_start3A_69 = tpu.memref_squeeze %dma_start3A_68 : memref<1x32xf32, #tpu.memory_space<hbm>> -> memref<32xf32, #tpu.memory_space<hbm>>
      %dma_start3A_70 = arith.constant 32 : i32
      %dma_start3A_71 = tpu.memref_slice %arg9[%dma_start3A_70] : memref<160xf32, #tpu.memory_space<vmem>> -> memref<32xf32, #tpu.memory_space<vmem>>
      tpu.enqueue_dma source(%dma_start3A_71 : memref<32xf32, #tpu.memory_space<vmem>>) target(%dma_start3A_69 : memref<32xf32, #tpu.memory_space<hbm>>) target_semaphore(%run_scoped3A_64 : memref<!tpu.dma_semaphore, #tpu.memory_space<semaphore_mem>>)
      %dma_wait3A = arith.constant 32 : i32
      %dma_wait3A_72 = tpu.memref_slice %arg9[%dma_wait3A] : memref<160xf32, #tpu.memory_space<vmem>> -> memref<32xf32, #tpu.memory_space<vmem>>
      %dma_wait3A_73 = tpu.memref_slice %arg5[%run_scoped3A_54, %mul3A_53] : memref<5x1024xf32, #tpu.memory_space<hbm>> -> memref<1x32xf32, #tpu.memory_space<hbm>>
      %dma_wait3A_74 = tpu.memref_squeeze %dma_wait3A_73 : memref<1x32xf32, #tpu.memory_space<hbm>> -> memref<32xf32, #tpu.memory_space<hbm>>
      %dma_wait3A_75 = tpu.memref_slice %arg5[%run_scoped3A_54, %mul3A_53] : memref<5x1024xf32, #tpu.memory_space<hbm>> -> memref<1x32xf32, #tpu.memory_space<hbm>>
      %dma_wait3A_76 = tpu.memref_squeeze %dma_wait3A_75 : memref<1x32xf32, #tpu.memory_space<hbm>> -> memref<32xf32, #tpu.memory_space<hbm>>
      %dma_wait3A_77 = arith.constant 32 : i32
      %dma_wait3A_78 = tpu.memref_slice %arg9[%dma_wait3A_77] : memref<160xf32, #tpu.memory_space<vmem>> -> memref<32xf32, #tpu.memory_space<vmem>>
      tpu.wait_dma2 semaphore(%run_scoped3A_64 : memref<!tpu.dma_semaphore, #tpu.memory_space<semaphore_mem>>) src(%dma_wait3A_78 : memref<32xf32, #tpu.memory_space<vmem>>) dst(%dma_wait3A_76 : memref<32xf32, #tpu.memory_space<hbm>>)
      tpu.yield
    }) : () -> ()
    %mul3A_55 = arith.constant 32 : i32
    %mul3A_56 = arith.muli %add3A, %mul3A_55 : i32
    %run_scoped3A_57 = arith.constant 2 : i32
    "tpu.region"() ({
      %run_scoped3A_64 = tpu.sem_alloc : memref<!tpu.dma_semaphore, #tpu.memory_space<semaphore_mem>>
      %dma_start3A = arith.constant 64 : i32
      %dma_start3A_65 = tpu.memref_slice %arg9[%dma_start3A] : memref<160xf32, #tpu.memory_space<vmem>> -> memref<32xf32, #tpu.memory_space<vmem>>
      %dma_start3A_66 = tpu.memref_slice %arg5[%run_scoped3A_57, %mul3A_56] : memref<5x1024xf32, #tpu.memory_space<hbm>> -> memref<1x32xf32, #tpu.memory_space<hbm>>
      %dma_start3A_67 = tpu.memref_squeeze %dma_start3A_66 : memref<1x32xf32, #tpu.memory_space<hbm>> -> memref<32xf32, #tpu.memory_space<hbm>>
      %dma_start3A_68 = tpu.memref_slice %arg5[%run_scoped3A_57, %mul3A_56] : memref<5x1024xf32, #tpu.memory_space<hbm>> -> memref<1x32xf32, #tpu.memory_space<hbm>>
      %dma_start3A_69 = tpu.memref_squeeze %dma_start3A_68 : memref<1x32xf32, #tpu.memory_space<hbm>> -> memref<32xf32, #tpu.memory_space<hbm>>
      %dma_start3A_70 = arith.constant 64 : i32
      %dma_start3A_71 = tpu.memref_slice %arg9[%dma_start3A_70] : memref<160xf32, #tpu.memory_space<vmem>> -> memref<32xf32, #tpu.memory_space<vmem>>
      tpu.enqueue_dma source(%dma_start3A_71 : memref<32xf32, #tpu.memory_space<vmem>>) target(%dma_start3A_69 : memref<32xf32, #tpu.memory_space<hbm>>) target_semaphore(%run_scoped3A_64 : memref<!tpu.dma_semaphore, #tpu.memory_space<semaphore_mem>>)
      %dma_wait3A = arith.constant 64 : i32
      %dma_wait3A_72 = tpu.memref_slice %arg9[%dma_wait3A] : memref<160xf32, #tpu.memory_space<vmem>> -> memref<32xf32, #tpu.memory_space<vmem>>
      %dma_wait3A_73 = tpu.memref_slice %arg5[%run_scoped3A_57, %mul3A_56] : memref<5x1024xf32, #tpu.memory_space<hbm>> -> memref<1x32xf32, #tpu.memory_space<hbm>>
      %dma_wait3A_74 = tpu.memref_squeeze %dma_wait3A_73 : memref<1x32xf32, #tpu.memory_space<hbm>> -> memref<32xf32, #tpu.memory_space<hbm>>
      %dma_wait3A_75 = tpu.memref_slice %arg5[%run_scoped3A_57, %mul3A_56] : memref<5x1024xf32, #tpu.memory_space<hbm>> -> memref<1x32xf32, #tpu.memory_space<hbm>>
      %dma_wait3A_76 = tpu.memref_squeeze %dma_wait3A_75 : memref<1x32xf32, #tpu.memory_space<hbm>> -> memref<32xf32, #tpu.memory_space<hbm>>
      %dma_wait3A_77 = arith.constant 64 : i32
      %dma_wait3A_78 = tpu.memref_slice %arg9[%dma_wait3A_77] : memref<160xf32, #tpu.memory_space<vmem>> -> memref<32xf32, #tpu.memory_space<vmem>>
      tpu.wait_dma2 semaphore(%run_scoped3A_64 : memref<!tpu.dma_semaphore, #tpu.memory_space<semaphore_mem>>) src(%dma_wait3A_78 : memref<32xf32, #tpu.memory_space<vmem>>) dst(%dma_wait3A_76 : memref<32xf32, #tpu.memory_space<hbm>>)
      tpu.yield
    }) : () -> ()
    %mul3A_58 = arith.constant 32 : i32
    %mul3A_59 = arith.muli %add3A, %mul3A_58 : i32
    %run_scoped3A_60 = arith.constant 3 : i32
    "tpu.region"() ({
      %run_scoped3A_64 = tpu.sem_alloc : memref<!tpu.dma_semaphore, #tpu.memory_space<semaphore_mem>>
      %dma_start3A = arith.constant 96 : i32
      %dma_start3A_65 = tpu.memref_slice %arg9[%dma_start3A] : memref<160xf32, #tpu.memory_space<vmem>> -> memref<32xf32, #tpu.memory_space<vmem>>
      %dma_start3A_66 = tpu.memref_slice %arg5[%run_scoped3A_60, %mul3A_59] : memref<5x1024xf32, #tpu.memory_space<hbm>> -> memref<1x32xf32, #tpu.memory_space<hbm>>
      %dma_start3A_67 = tpu.memref_squeeze %dma_start3A_66 : memref<1x32xf32, #tpu.memory_space<hbm>> -> memref<32xf32, #tpu.memory_space<hbm>>
      %dma_start3A_68 = tpu.memref_slice %arg5[%run_scoped3A_60, %mul3A_59] : memref<5x1024xf32, #tpu.memory_space<hbm>> -> memref<1x32xf32, #tpu.memory_space<hbm>>
      %dma_start3A_69 = tpu.memref_squeeze %dma_start3A_68 : memref<1x32xf32, #tpu.memory_space<hbm>> -> memref<32xf32, #tpu.memory_space<hbm>>
      %dma_start3A_70 = arith.constant 96 : i32
      %dma_start3A_71 = tpu.memref_slice %arg9[%dma_start3A_70] : memref<160xf32, #tpu.memory_space<vmem>> -> memref<32xf32, #tpu.memory_space<vmem>>
      tpu.enqueue_dma source(%dma_start3A_71 : memref<32xf32, #tpu.memory_space<vmem>>) target(%dma_start3A_69 : memref<32xf32, #tpu.memory_space<hbm>>) target_semaphore(%run_scoped3A_64 : memref<!tpu.dma_semaphore, #tpu.memory_space<semaphore_mem>>)
      %dma_wait3A = arith.constant 96 : i32
      %dma_wait3A_72 = tpu.memref_slice %arg9[%dma_wait3A] : memref<160xf32, #tpu.memory_space<vmem>> -> memref<32xf32, #tpu.memory_space<vmem>>
      %dma_wait3A_73 = tpu.memref_slice %arg5[%run_scoped3A_60, %mul3A_59] : memref<5x1024xf32, #tpu.memory_space<hbm>> -> memref<1x32xf32, #tpu.memory_space<hbm>>
      %dma_wait3A_74 = tpu.memref_squeeze %dma_wait3A_73 : memref<1x32xf32, #tpu.memory_space<hbm>> -> memref<32xf32, #tpu.memory_space<hbm>>
      %dma_wait3A_75 = tpu.memref_slice %arg5[%run_scoped3A_60, %mul3A_59] : memref<5x1024xf32, #tpu.memory_space<hbm>> -> memref<1x32xf32, #tpu.memory_space<hbm>>
      %dma_wait3A_76 = tpu.memref_squeeze %dma_wait3A_75 : memref<1x32xf32, #tpu.memory_space<hbm>> -> memref<32xf32, #tpu.memory_space<hbm>>
      %dma_wait3A_77 = arith.constant 96 : i32
      %dma_wait3A_78 = tpu.memref_slice %arg9[%dma_wait3A_77] : memref<160xf32, #tpu.memory_space<vmem>> -> memref<32xf32, #tpu.memory_space<vmem>>
      tpu.wait_dma2 semaphore(%run_scoped3A_64 : memref<!tpu.dma_semaphore, #tpu.memory_space<semaphore_mem>>) src(%dma_wait3A_78 : memref<32xf32, #tpu.memory_space<vmem>>) dst(%dma_wait3A_76 : memref<32xf32, #tpu.memory_space<hbm>>)
      tpu.yield
    }) : () -> ()
    %mul3A_61 = arith.constant 32 : i32
    %mul3A_62 = arith.muli %add3A, %mul3A_61 : i32
    %run_scoped3A_63 = arith.constant 4 : i32
    "tpu.region"() ({
      %run_scoped3A_64 = tpu.sem_alloc : memref<!tpu.dma_semaphore, #tpu.memory_space<semaphore_mem>>
      %dma_start3A = arith.constant 128 : i32
      %dma_start3A_65 = tpu.memref_slice %arg9[%dma_start3A] : memref<160xf32, #tpu.memory_space<vmem>> -> memref<32xf32, #tpu.memory_space<vmem>>
      %dma_start3A_66 = tpu.memref_slice %arg5[%run_scoped3A_63, %mul3A_62] : memref<5x1024xf32, #tpu.memory_space<hbm>> -> memref<1x32xf32, #tpu.memory_space<hbm>>
      %dma_start3A_67 = tpu.memref_squeeze %dma_start3A_66 : memref<1x32xf32, #tpu.memory_space<hbm>> -> memref<32xf32, #tpu.memory_space<hbm>>
      %dma_start3A_68 = tpu.memref_slice %arg5[%run_scoped3A_63, %mul3A_62] : memref<5x1024xf32, #tpu.memory_space<hbm>> -> memref<1x32xf32, #tpu.memory_space<hbm>>
      %dma_start3A_69 = tpu.memref_squeeze %dma_start3A_68 : memref<1x32xf32, #tpu.memory_space<hbm>> -> memref<32xf32, #tpu.memory_space<hbm>>
      %dma_start3A_70 = arith.constant 128 : i32
      %dma_start3A_71 = tpu.memref_slice %arg9[%dma_start3A_70] : memref<160xf32, #tpu.memory_space<vmem>> -> memref<32xf32, #tpu.memory_space<vmem>>
      tpu.enqueue_dma source(%dma_start3A_71 : memref<32xf32, #tpu.memory_space<vmem>>) target(%dma_start3A_69 : memref<32xf32, #tpu.memory_space<hbm>>) target_semaphore(%run_scoped3A_64 : memref<!tpu.dma_semaphore, #tpu.memory_space<semaphore_mem>>)
      %dma_wait3A = arith.constant 128 : i32
      %dma_wait3A_72 = tpu.memref_slice %arg9[%dma_wait3A] : memref<160xf32, #tpu.memory_space<vmem>> -> memref<32xf32, #tpu.memory_space<vmem>>
      %dma_wait3A_73 = tpu.memref_slice %arg5[%run_scoped3A_63, %mul3A_62] : memref<5x1024xf32, #tpu.memory_space<hbm>> -> memref<1x32xf32, #tpu.memory_space<hbm>>
      %dma_wait3A_74 = tpu.memref_squeeze %dma_wait3A_73 : memref<1x32xf32, #tpu.memory_space<hbm>> -> memref<32xf32, #tpu.memory_space<hbm>>
      %dma_wait3A_75 = tpu.memref_slice %arg5[%run_scoped3A_63, %mul3A_62] : memref<5x1024xf32, #tpu.memory_space<hbm>> -> memref<1x32xf32, #tpu.memory_space<hbm>>
      %dma_wait3A_76 = tpu.memref_squeeze %dma_wait3A_75 : memref<1x32xf32, #tpu.memory_space<hbm>> -> memref<32xf32, #tpu.memory_space<hbm>>
      %dma_wait3A_77 = arith.constant 128 : i32
      %dma_wait3A_78 = tpu.memref_slice %arg9[%dma_wait3A_77] : memref<160xf32, #tpu.memory_space<vmem>> -> memref<32xf32, #tpu.memory_space<vmem>>
      tpu.wait_dma2 semaphore(%run_scoped3A_64 : memref<!tpu.dma_semaphore, #tpu.memory_space<semaphore_mem>>) src(%dma_wait3A_78 : memref<32xf32, #tpu.memory_space<vmem>>) dst(%dma_wait3A_76 : memref<32xf32, #tpu.memory_space<hbm>>)
      tpu.yield
    }) : () -> ()
    return
  }
}

module attributes {stable_mosaic.version = 14 : i64} {
  func.func @_tc_kernel(%arg0: i32, %arg1: memref<512x1024xf32, #tpu.memory_space<vmem>>, %arg2: memref<1x1x512xi32, #tpu.memory_space<vmem>>, %arg3: memref<512x1024xi32, #tpu.memory_space<vmem>>, %arg4: memref<1x1xf32, #tpu.memory_space<vmem>>) attributes {dimension_semantics = [#tpu.dimension_semantics<arbitrary>], iteration_bounds = array<i64: 30>, scalar_prefetch = 0 : i64, scratch_operands = 0 : i64, tpu.core_type = #tpu.core_type<tc>, window_params = [{transform_indices = @transform_0, window_bounds = array<i64: 512, 1024>}, {transform_indices = @transform_1, window_bounds = array<i64: 1, 1, 512>}, {transform_indices = @transform_2, window_bounds = array<i64: 512, 1024>}, {pipeline_mode = #tpu.pipeline_mode<synchronous>, transform_indices = @transform_3, window_bounds = array<i64: 1, 1>}]} {
    %get3A = arith.constant 0 : index
    %get3A_0 = arith.constant 0 : index
    %get3A_1 = vector.load %arg1[%get3A, %get3A_0] : memref<512x1024xf32, #tpu.memory_space<vmem>>, vector<512x1024xf32>
    %get3A_2 = arith.constant 0 : index
    %get3A_3 = arith.constant 0 : index
    %get3A_4 = vector.load %arg3[%get3A_2, %get3A_3] : memref<512x1024xi32, #tpu.memory_space<vmem>>, vector<512x1024xi32>
    %get3A_5 = arith.constant dense<0> : vector<512x1024xi32>
    %get3A_6 = arith.cmpi ne, %get3A_4, %get3A_5 : vector<512x1024xi32>
    %get3A_7 = arith.constant 0 : index
    %get3A_8 = arith.constant 0 : index
    %get3A_9 = arith.constant 0 : index
    %get3A_10 = vector.load %arg2[%get3A_7, %get3A_8, %get3A_9] : memref<1x1x512xi32, #tpu.memory_space<vmem>>, vector<1x1x512xi32>
    %get3A_11 = vector.shape_cast %get3A_10 : vector<1x1x512xi32> to vector<512xi32>
    %convert_element_type3A = arith.extui %get3A_6 : vector<512x1024xi1> to vector<512x1024xi32>
    %convert_element_type3A_12 = arith.sitofp %convert_element_type3A : vector<512x1024xi32> to vector<512x1024xf32>
    %reduce_sum3A = arith.constant dense<0.000000e+00> : vector<512xf32>
    %reduce_sum3A_13 = vector.multi_reduction <add>, %convert_element_type3A_12, %reduce_sum3A [1] : vector<512x1024xf32> to vector<512xf32>
    %sub3A = arith.constant 1.024000e+03 : f32
    %sub3A_14 = vector.broadcast %sub3A : f32 to vector<512xf32>
    %sub3A_15 = arith.subf %sub3A_14, %reduce_sum3A_13 : vector<512xf32>
    %reduce_sum3A_16 = arith.constant dense<0.000000e+00> : vector<512xf32>
    %reduce_sum3A_17 = vector.multi_reduction <add>, %get3A_1, %reduce_sum3A_16 [1] : vector<512x1024xf32> to vector<512xf32>
    %jit3A = arith.constant 0.000000e+00 : f32
    %broadcast_in_dim3A = vector.broadcast %jit3A : f32 to vector<512x1024xf32>
    %select_n3A = arith.select %get3A_6, %get3A_1, %broadcast_in_dim3A : vector<512x1024xi1>, vector<512x1024xf32>
    %reduce_sum3A_18 = arith.constant dense<0.000000e+00> : vector<512xf32>
    %reduce_sum3A_19 = vector.multi_reduction <add>, %select_n3A, %reduce_sum3A_18 [1] : vector<512x1024xf32> to vector<512xf32>
    %sub3A_20 = arith.subf %reduce_sum3A_17, %reduce_sum3A_19 : vector<512xf32>
    %iota3A = tpu.iota {dimensions = array<i32: 1>} : vector<512x1024xi32>
    %broadcast_in_dim3A_21 = vector.shape_cast %get3A_11 : vector<512xi32> to vector<512x1xi32>
    %eq3A = vector.broadcast %broadcast_in_dim3A_21 : vector<512x1xi32> to vector<512x1024xi32>
    %eq3A_22 = arith.cmpi eq, %iota3A, %eq3A : vector<512x1024xi32>
    %jit3A_23 = arith.constant 0.000000e+00 : f32
    %broadcast_in_dim3A_24 = vector.broadcast %jit3A_23 : f32 to vector<512x1024xf32>
    %select_n3A_25 = arith.select %eq3A_22, %get3A_1, %broadcast_in_dim3A_24 : vector<512x1024xi1>, vector<512x1024xf32>
    %reduce_sum3A_26 = arith.constant dense<0.000000e+00> : vector<512xf32>
    %reduce_sum3A_27 = vector.multi_reduction <add>, %select_n3A_25, %reduce_sum3A_26 [1] : vector<512x1024xf32> to vector<512xf32>
    %jit3A_28 = arith.constant 0.000000e+00 : f32
    %broadcast_in_dim3A_29 = vector.broadcast %jit3A_28 : f32 to vector<512x1024xf32>
    %select_n3A_30 = arith.select %eq3A_22, %convert_element_type3A_12, %broadcast_in_dim3A_29 : vector<512x1024xi1>, vector<512x1024xf32>
    %reduce_sum3A_31 = arith.constant dense<0.000000e+00> : vector<512xf32>
    %reduce_sum3A_32 = vector.multi_reduction <add>, %select_n3A_30, %reduce_sum3A_31 [1] : vector<512x1024xf32> to vector<512xf32>
    %gt3A = arith.constant 0.000000e+00 : f32
    %gt3A_33 = vector.broadcast %gt3A : f32 to vector<512xf32>
    %gt3A_34 = arith.cmpf ogt, %sub3A_15, %gt3A_33 : vector<512xf32>
    %max3A = arith.constant 1.000000e+00 : f32
    %max3A_35 = vector.broadcast %max3A : f32 to vector<512xf32>
    %max3A_36 = arith.maximumf %sub3A_15, %max3A_35 : vector<512xf32>
    %div3A = arith.constant 1.000000e-01 : f32
    %div3A_37 = vector.broadcast %div3A : f32 to vector<512xf32>
    %div3A_38 = arith.divf %div3A_37, %max3A_36 : vector<512xf32>
    %log3A = math.log %div3A_38 : vector<512xf32>
    %neg3A = arith.constant 0.000000e+00 : f32
    %neg3A_39 = vector.broadcast %neg3A : f32 to vector<512xf32>
    %neg3A_40 = arith.subf %neg3A_39, %reduce_sum3A_19 : vector<512xf32>
    %mul3A = arith.constant 1.000000e-01 : f32
    %mul3A_41 = vector.broadcast %mul3A : f32 to vector<512xf32>
    %mul3A_42 = arith.mulf %mul3A_41, %log3A : vector<512xf32>
    %mul3A_43 = arith.mulf %div3A_38, %sub3A_20 : vector<512xf32>
    %sub3A_44 = arith.subf %mul3A_42, %mul3A_43 : vector<512xf32>
    %jit3A_45 = arith.constant 0.000000e+00 : f32
    %broadcast_in_dim3A_46 = vector.broadcast %jit3A_45 : f32 to vector<512xf32>
    %select_n3A_47 = arith.select %gt3A_34, %sub3A_44, %broadcast_in_dim3A_46 : vector<512xi1>, vector<512xf32>
    %add3A = arith.addf %neg3A_40, %select_n3A_47 : vector<512xf32>
    %mul3A_48 = arith.constant 0.899999976 : f32
    %mul3A_49 = vector.broadcast %mul3A_48 : f32 to vector<512xf32>
    %mul3A_50 = arith.mulf %mul3A_49, %reduce_sum3A_27 : vector<512xf32>
    %sub3A_51 = arith.constant 1.21952236 : f32
    %sub3A_52 = vector.broadcast %sub3A_51 : f32 to vector<512xf32>
    %sub3A_53 = arith.subf %sub3A_52, %mul3A_50 : vector<512xf32>
    %add3A_54 = arith.constant 0.899999976 : f32
    %add3A_55 = vector.broadcast %add3A_54 : f32 to vector<512xf32>
    %add3A_56 = arith.addf %div3A_38, %add3A_55 : vector<512xf32>
    %log3A_57 = math.log %add3A_56 : vector<512xf32>
    %mul3A_58 = arith.mulf %add3A_56, %log3A_57 : vector<512xf32>
    %mul3A_59 = arith.mulf %div3A_38, %log3A : vector<512xf32>
    %sub3A_60 = arith.subf %mul3A_58, %mul3A_59 : vector<512xf32>
    %mul3A_61 = arith.constant 0.899999976 : f32
    %mul3A_62 = vector.broadcast %mul3A_61 : f32 to vector<512xf32>
    %mul3A_63 = arith.mulf %mul3A_62, %reduce_sum3A_27 : vector<512xf32>
    %sub3A_64 = arith.subf %sub3A_60, %mul3A_63 : vector<512xf32>
    %gt3A_65 = arith.constant 5.000000e-01 : f32
    %gt3A_66 = vector.broadcast %gt3A_65 : f32 to vector<512xf32>
    %gt3A_67 = arith.cmpf ogt, %reduce_sum3A_32, %gt3A_66 : vector<512xf32>
    %select_n3A_68 = arith.select %gt3A_67, %sub3A_53, %sub3A_64 : vector<512xi1>, vector<512xf32>
    %add3A_69 = arith.addf %add3A, %select_n3A_68 : vector<512xf32>
    %reduce_sum3A_70 = vector.shape_cast %add3A_69 : vector<512xf32> to vector<1x512xf32>
    %reduce_sum3A_71 = arith.constant dense<0.000000e+00> : vector<1xf32>
    %reduce_sum3A_72 = vector.multi_reduction <add>, %reduce_sum3A_70, %reduce_sum3A_71 [1] : vector<1x512xf32> to vector<1xf32>
    %reduce_sum3A_73 = vector.shape_cast %reduce_sum3A_72 : vector<1xf32> to vector<1x1xf32>
    %reduce_sum3A_74 = vector.extract %reduce_sum3A_73[0, 0] : f32 from vector<1x1xf32>
    %reshape3A = vector.broadcast %reduce_sum3A_74 : f32 to vector<1x1xf32>
    %eq3A_75 = arith.constant 0 : i32
    %eq3A_76 = arith.cmpi eq, %arg0, %eq3A_75 : i32
    %convert_element_type3A_77 = arith.extui %eq3A_76 : i1 to i32
    %cond3A = arith.constant 0 : i32
    %cond3A_78 = arith.cmpi ne, %convert_element_type3A_77, %cond3A : i32
    scf.if %cond3A_78 {
      %broadcast_in_dim3A_85 = arith.constant 0.000000e+00 : f32
      %broadcast_in_dim3A_86 = vector.broadcast %broadcast_in_dim3A_85 : f32 to vector<1x1xf32>
      %swap3A_87 = arith.constant 0 : index
      %swap3A_88 = arith.constant 0 : index
      %swap3A_89 = vector.load %arg4[%swap3A_87, %swap3A_88] : memref<1x1xf32, #tpu.memory_space<vmem>>, vector<1x1xf32>
      tpu.vector_store %arg4[%swap3A_87, %swap3A_88], %broadcast_in_dim3A_86 {strides = array<i32>} : memref<1x1xf32, #tpu.memory_space<vmem>>, vector<1x1xf32>,
    } else {
    }
    %get3A_79 = arith.constant 0 : index
    %get3A_80 = arith.constant 0 : index
    %get3A_81 = vector.load %arg4[%get3A_79, %get3A_80] : memref<1x1xf32, #tpu.memory_space<vmem>>, vector<1x1xf32>
    %add3A_82 = arith.addf %get3A_81, %reshape3A : vector<1x1xf32>
    %swap3A = arith.constant 0 : index
    %swap3A_83 = arith.constant 0 : index
    %swap3A_84 = vector.load %arg4[%swap3A, %swap3A_83] : memref<1x1xf32, #tpu.memory_space<vmem>>, vector<1x1xf32>
    tpu.vector_store %arg4[%swap3A, %swap3A_83], %add3A_82 {strides = array<i32>} : memref<1x1xf32, #tpu.memory_space<vmem>>, vector<1x1xf32>,
    return
  }
  func.func @transform_0(%arg0: i32) -> (i32, i32) {
    %c0_i32 = arith.constant 0 : i32
    %c0_i32_0 = arith.constant 0 : i32
    return %arg0, %c0_i32 : i32, i32
  }
  func.func @transform_1(%arg0: i32) -> (i32, i32, i32) {
    %c0_i32 = arith.constant 0 : i32
    %c0_i32_0 = arith.constant 0 : i32
    %c0_i32_1 = arith.constant 0 : i32
    return %arg0, %c0_i32, %c0_i32_0 : i32, i32, i32
  }
  func.func @transform_2(%arg0: i32) -> (i32, i32) {
    %c0_i32 = arith.constant 0 : i32
    %c0_i32_0 = arith.constant 0 : i32
    return %arg0, %c0_i32 : i32, i32
  }
  func.func @transform_3(%arg0: i32) -> (i32, i32) {
    %c0_i32 = arith.constant 0 : i32
    %c0_i32_0 = arith.constant 0 : i32
    %c0_i32_1 = arith.constant 0 : i32
    return %c0_i32, %c0_i32_0 : i32, i32
  }
}

module attributes {stable_mosaic.version = 14 : i64} {
  func.func @_combine_kernel(%arg0: memref<5x8x128xf32, #tpu.memory_space<vmem>>, %arg1: memref<1x1xf32, #tpu.memory_space<vmem>>, %arg2: memref<1x1xf32, #tpu.memory_space<vmem>>) attributes {dimension_semantics = [], scalar_prefetch = 0 : i64, scratch_operands = 0 : i64, tpu.core_type = #tpu.core_type<tc>} {
    %get3A = arith.constant 0 : index
    %get3A_0 = arith.constant 0 : index
    %get3A_1 = arith.constant 0 : index
    %get3A_2 = vector.load %arg0[%get3A, %get3A_0, %get3A_1] : memref<5x8x128xf32, #tpu.memory_space<vmem>>, vector<5x8x128xf32>
    %slice3A = vector.extract_strided_slice %get3A_2 {offsets = [0, 0, 0], sizes = [1, 8, 128], strides = [1, 1, 1]} : vector<5x8x128xf32> to vector<1x8x128xf32>
    %squeeze3A = vector.shape_cast %slice3A : vector<1x8x128xf32> to vector<8x128xf32>
    %slice3A_3 = vector.extract_strided_slice %get3A_2 {offsets = [1, 0, 0], sizes = [1, 8, 128], strides = [1, 1, 1]} : vector<5x8x128xf32> to vector<1x8x128xf32>
    %squeeze3A_4 = vector.shape_cast %slice3A_3 : vector<1x8x128xf32> to vector<8x128xf32>
    %slice3A_5 = vector.extract_strided_slice %get3A_2 {offsets = [2, 0, 0], sizes = [1, 8, 128], strides = [1, 1, 1]} : vector<5x8x128xf32> to vector<1x8x128xf32>
    %squeeze3A_6 = vector.shape_cast %slice3A_5 : vector<1x8x128xf32> to vector<8x128xf32>
    %slice3A_7 = vector.extract_strided_slice %get3A_2 {offsets = [3, 0, 0], sizes = [1, 8, 128], strides = [1, 1, 1]} : vector<5x8x128xf32> to vector<1x8x128xf32>
    %squeeze3A_8 = vector.shape_cast %slice3A_7 : vector<1x8x128xf32> to vector<8x128xf32>
    %slice3A_9 = vector.extract_strided_slice %get3A_2 {offsets = [4, 0, 0], sizes = [1, 8, 128], strides = [1, 1, 1]} : vector<5x8x128xf32> to vector<1x8x128xf32>
    %squeeze3A_10 = vector.shape_cast %slice3A_9 : vector<1x8x128xf32> to vector<8x128xf32>
    %sub3A = arith.subf %squeeze3A, %squeeze3A_4 : vector<8x128xf32>
    %sub3A_11 = arith.constant 1.024000e+03 : f32
    %sub3A_12 = vector.broadcast %sub3A_11 : f32 to vector<8x128xf32>
    %sub3A_13 = arith.subf %sub3A_12, %squeeze3A_6 : vector<8x128xf32>
    %gt3A = arith.constant 0.000000e+00 : f32
    %gt3A_14 = vector.broadcast %gt3A : f32 to vector<8x128xf32>
    %gt3A_15 = arith.cmpf ogt, %sub3A_13, %gt3A_14 : vector<8x128xf32>
    %max3A = arith.constant 1.000000e+00 : f32
    %max3A_16 = vector.broadcast %max3A : f32 to vector<8x128xf32>
    %max3A_17 = arith.maximumf %sub3A_13, %max3A_16 : vector<8x128xf32>
    %div3A = arith.constant 1.000000e-01 : f32
    %div3A_18 = vector.broadcast %div3A : f32 to vector<8x128xf32>
    %div3A_19 = arith.divf %div3A_18, %max3A_17 : vector<8x128xf32>
    %log3A = math.log %div3A_19 : vector<8x128xf32>
    %neg3A = arith.constant 0.000000e+00 : f32
    %neg3A_20 = vector.broadcast %neg3A : f32 to vector<8x128xf32>
    %neg3A_21 = arith.subf %neg3A_20, %squeeze3A_4 : vector<8x128xf32>
    %mul3A = arith.constant 1.000000e-01 : f32
    %mul3A_22 = vector.broadcast %mul3A : f32 to vector<8x128xf32>
    %mul3A_23 = arith.mulf %mul3A_22, %log3A : vector<8x128xf32>
    %mul3A_24 = arith.mulf %div3A_19, %sub3A : vector<8x128xf32>
    %sub3A_25 = arith.subf %mul3A_23, %mul3A_24 : vector<8x128xf32>
    %jit3A = arith.constant 0.000000e+00 : f32
    %broadcast_in_dim3A = vector.broadcast %jit3A : f32 to vector<8x128xf32>
    %select_n3A = arith.select %gt3A_15, %sub3A_25, %broadcast_in_dim3A : vector<8x128xi1>, vector<8x128xf32>
    %add3A = arith.addf %neg3A_21, %select_n3A : vector<8x128xf32>
    %mul3A_26 = arith.constant 0.899999976 : f32
    %mul3A_27 = vector.broadcast %mul3A_26 : f32 to vector<8x128xf32>
    %mul3A_28 = arith.mulf %mul3A_27, %squeeze3A_8 : vector<8x128xf32>
    %sub3A_29 = arith.constant 1.21952236 : f32
    %sub3A_30 = vector.broadcast %sub3A_29 : f32 to vector<8x128xf32>
    %sub3A_31 = arith.subf %sub3A_30, %mul3A_28 : vector<8x128xf32>
    %add3A_32 = arith.constant 0.899999976 : f32
    %add3A_33 = vector.broadcast %add3A_32 : f32 to vector<8x128xf32>
    %add3A_34 = arith.addf %div3A_19, %add3A_33 : vector<8x128xf32>
    %log3A_35 = math.log %add3A_34 : vector<8x128xf32>
    %mul3A_36 = arith.mulf %add3A_34, %log3A_35 : vector<8x128xf32>
    %mul3A_37 = arith.mulf %div3A_19, %log3A : vector<8x128xf32>
    %sub3A_38 = arith.subf %mul3A_36, %mul3A_37 : vector<8x128xf32>
    %mul3A_39 = arith.constant 0.899999976 : f32
    %mul3A_40 = vector.broadcast %mul3A_39 : f32 to vector<8x128xf32>
    %mul3A_41 = arith.mulf %mul3A_40, %squeeze3A_8 : vector<8x128xf32>
    %sub3A_42 = arith.subf %sub3A_38, %mul3A_41 : vector<8x128xf32>
    %gt3A_43 = arith.constant 5.000000e-01 : f32
    %gt3A_44 = vector.broadcast %gt3A_43 : f32 to vector<8x128xf32>
    %gt3A_45 = arith.cmpf ogt, %squeeze3A_10, %gt3A_44 : vector<8x128xf32>
    %select_n3A_46 = arith.select %gt3A_45, %sub3A_31, %sub3A_42 : vector<8x128xi1>, vector<8x128xf32>
    %add3A_47 = arith.addf %add3A, %select_n3A_46 : vector<8x128xf32>
    %reduce_sum3A = vector.shape_cast %add3A_47 : vector<8x128xf32> to vector<1x8x128xf32>
    %reduce_sum3A_48 = arith.constant dense<0.000000e+00> : vector<1xf32>
    %reduce_sum3A_49 = vector.multi_reduction <add>, %reduce_sum3A, %reduce_sum3A_48 [1, 2] : vector<1x8x128xf32> to vector<1xf32>
    %reduce_sum3A_50 = vector.shape_cast %reduce_sum3A_49 : vector<1xf32> to vector<1x1x1xf32>
    %reduce_sum3A_51 = vector.extract %reduce_sum3A_50[0, 0, 0] : f32 from vector<1x1x1xf32>
    %get3A_52 = arith.constant 0 : index
    %get3A_53 = arith.constant 0 : index
    %get3A_54 = vector.load %arg1[%get3A_52, %get3A_53] : memref<1x1xf32, #tpu.memory_space<vmem>>, vector<1x1xf32>
    %get3A_55 = vector.extract %get3A_54[0, 0] : f32 from vector<1x1xf32>
    %add3A_56 = arith.addf %reduce_sum3A_51, %get3A_55 : f32
    %reshape3A = vector.broadcast %add3A_56 : f32 to vector<1x1xf32>
    %swap3A = arith.constant 0 : index
    %swap3A_57 = arith.constant 0 : index
    %swap3A_58 = vector.load %arg2[%swap3A, %swap3A_57] : memref<1x1xf32, #tpu.memory_space<vmem>>, vector<1x1xf32>
    tpu.vector_store %arg2[%swap3A, %swap3A_57], %reshape3A {strides = array<i32>} : memref<1x1xf32, #tpu.memory_space<vmem>>, vector<1x1xf32>,
    return
  }
}

</mosaic_0001>

<sc_bundles>
// kernel: kernel.5.cloned.1.call-start
scs
__scs_entry_jumppad:
0x0: {  	(pc) =	sbr.rel $0x88, $3  }
0x1: {  	(tag) =	ssettag $0x0;
	lr =	simm.s32 $0x1  }
0x2: {  	[smem:$0x3F9E] =	sst lr;
	_ =	strace $0xD0000000  }
0x3: {  	_ = 	snop  }
0x4: {  	_ = 	snop  }
0x5: {  	_ = 	snop  }
0x6: {  	_ = 	snop  }
0x7: {  	_ = 	snop  }
__scs_overlays_trampoline_lowered:
0x8: {  	[smem:$0x3FAD] =	sst s0  }
0x9: {  	[smem:$0x3FAE] =	sst s1  }
0xa: {  	[smem:$0x3FAF] =	sst s2  }
0xb: {  	[smem:$0x3FB0] =	sst s3  }
0xc: {  	[smem:$0x3FB1] =	sst s4  }
0xd: {  	[smem:$0x3FB2] =	sst s5  }
0xe: {  	[smem:$0x3FB3] =	sst s6  }
0xf: {  	[smem:$0x3FB4] =	sst s7  }
0x10: {  	[smem:$0x3FB5] =	sst s8  }
0x11: {  	[smem:$0x3FB6] =	sst s9;
	s0 =	simm.s32 @!p0 $0x0  }
0x12: {  	s1 =	sld [smem:$0x3F9C];
	s0 =	simm.s32 @p0 $0x1  }
0x13: {  	[smem:$0x3FB7] =	sst s0;
	s0 =	simm.s32 @!p1 $0x0  }
0x14: {  	s2 =	sld [smem:$0x3F9B];
	s0 =	simm.s32 @p1 $0x1  }
0x15: {  	[smem:$0x3FB8] =	sst s0;
	s0 =	simm.s32 @!p2 $0x0  }
0x16: {  	s3 =	sld [smem:$0x3FDB];
	s0 =	simm.s32 @p2 $0x1  }
0x17: {  	s4 =	simm.s32 $0x1BF5;
	[smem:$0x3FBA] =	sst s0  }
0x18: {  	s0 =	sld [smem:$0x3F9D];
	_ =	swait.ge [sflag:s4], $0x0  }
0x19: {  	s7 =	sld [smem:$0x3F9E]  }
0x1a: {  	s8 =	sadd.s32 $0xFFFFE003, lr  }
0x1b: {  	s9 =	sadd.s32 $0xFFFFFEF7, lr;
	s5 =	simm.s32 $0xFFFFFFFF;
	p2 =	slt.u32 s8, $0xFFFFF086  }
0x1c: {  	p1 =	slt.u32 s9, $0xF7A;
	s5 =	simm.s32 @!p2 $0x0  }
0x1d: {  	s5 =	simm.s32 @p1 $0x1;
	p0 =	seq.s32 s7, s2  }
0x1e: {  	s7 =	smul.u32 @!p0 $0xF7A, s2;
	p2 =	seq.s32 @!p0 s5, $0x0  }
0x1f: {  	s9 =	smul.u32 $0xF7A, s1;
	s8 =	simm.s32 @!p0 $0x1BF5;
	p2 =	por !p2, p0  }
0x20: {  	[sflag:s8] =	ssyncset.s32 @!p0 $0xFFFFF086;
	s6 =	sadd.s32 @!p0 s3, s7;
	s7 =	simm.s32 @!p0 $0x108  }
0x21: {  	s3 =	sadd.s32 s3, s9;
	s6 =	sadd.s32 @!p0 $0x88, s6;
	s7 =	simm.s32 @p2 $0x1082  }
0x22: {  	[simem:s7], [sflag:s8] =	dma.local @!p0 [hbm:s6], $0xF7A  }
0x23: {  	s9 =	sor.u32 $0xD0000000, s2;
	s6 =	simm.s32 $0x108;
	_ =	swait.ge @!p0 [sflag:s8], $0x0  }
0x24: {  	s3 =	sadd.s32 $0x88, s3;
	s6 =	simm.s32 @!p1 $0x1082;
	[sflag:s4] =	ssyncset.s32 $0xFFFFF086  }
0x25: {  	[simem:s6], [sflag:s4] =	dma.local [hbm:s3], $0xF7A  }
0x26: {  	[smem:$0x3F9E] =	sst s1;
	(tag) =	ssettag s2;
	_ =	strace s9  }
0x27: {  	s1 =	sld [smem:$0x3FAE]  }
0x28: {  	s2 =	sld [smem:$0x3FAF]  }
0x29: {  	s4 =	sld [smem:$0x3FB1]  }
0x2a: {  	p0 =	seq.s32 s5, $0x0;
	s5 =	sld [smem:$0x3FB2]  }
0x2b: {  	s6 =	sld [smem:$0x3FB3]  }
0x2c: {  	s7 =	sld [smem:$0x3FB4]  }
0x2d: {  	s3 =	simm.s32 $0x108;
	s8 =	sld [smem:$0x3FB5]  }
0x2e: {  	s3 =	simm.s32 @!p0 $0x1082;
	s9 =	sld [smem:$0x3FB6]  }
0x2f: {  	lr =	sadd.s32 s0, s3;
	s0 =	sld [smem:$0x3FAD]  }
0x30: {  	s3 =	sld [smem:$0x3FB0]  }
0x31: {  	[smem:$0x3FB9] =	sst s10  }
0x32: {  	s10 =	sld [smem:$0x3FB7];
	_ =	sdelay $0x3  }
0x33: {  	p0 =	seq.s32 s10, $0x1;
	s10 =	sld [smem:$0x3FB9];
	_ =	sdelay $0x3  }
0x34: {  	[smem:$0x3FB9] =	sst s10  }
0x35: {  	s10 =	sld [smem:$0x3FB8];
	_ =	sdelay $0x3  }
0x36: {  	p1 =	seq.s32 s10, $0x1;
	s10 =	sld [smem:$0x3FB9];
	_ =	sdelay $0x3  }
0x37: {  	[smem:$0x3FB9] =	sst s10  }
0x38: {  	s10 =	sld [smem:$0x3FBA]  }
0x39: {  	_ = 	snop;
	(pc) =	sbr.ind lr, $3  }
0x3a: {  	_ = 	snop  }
0x3b: {  	_ = 	snop  }
0x3c: {  	p2 =	seq.s32 s10, $0x1;
	s10 =	sld [smem:$0x3FB9]  }
0x3d: {  	_ =	shalt  }
0x3e: {  	_ =	shalt  }
0x3f: {  	_ =	shalt  }
0x40: {  	_ =	shalt  }
0x41: {  	_ =	shalt  }
0x42: {  	_ =	shalt  }
0x43: {  	_ =	shalt  }
0x44: {  	_ =	shalt  }
0x45: {  	_ =	shalt  }
0x46: {  	_ =	shalt  }
0x47: {  	_ =	shalt  }
0x48: {  	_ =	shalt  }
0x49: {  	_ =	shalt  }
0x4a: {  	_ =	shalt  }
0x4b: {  	_ =	shalt  }
0x4c: {  	_ =	shalt  }
0x4d: {  	_ =	shalt  }
0x4e: {  	_ =	shalt  }
0x4f: {  	_ =	shalt  }
0x50: {  	_ =	shalt  }
0x51: {  	_ =	shalt  }
0x52: {  	_ =	shalt  }
0x53: {  	_ =	shalt  }
0x54: {  	_ =	shalt  }
0x55: {  	_ =	shalt  }
0x56: {  	_ =	shalt  }
0x57: {  	_ =	shalt  }
0x58: {  	_ =	shalt  }
0x59: {  	_ =	shalt  }
0x5a: {  	_ =	shalt  }
0x5b: {  	_ =	shalt  }
0x5c: {  	_ =	shalt  }
0x5d: {  	_ =	shalt  }
0x5e: {  	_ =	shalt  }
0x5f: {  	_ =	shalt  }
0x60: {  	_ =	shalt  }
0x61: {  	_ =	shalt  }
0x62: {  	_ =	shalt  }
0x63: {  	_ =	shalt  }
0x64: {  	_ =	shalt  }
0x65: {  	_ =	shalt  }
0x66: {  	_ =	shalt  }
0x67: {  	_ =	shalt  }
0x68: {  	_ =	shalt  }
0x69: {  	_ =	shalt  }
0x6a: {  	_ =	shalt  }
0x6b: {  	_ =	shalt  }
0x6c: {  	_ =	shalt  }
0x6d: {  	_ =	shalt  }
0x6e: {  	_ =	shalt  }
0x6f: {  	_ =	shalt  }
0x70: {  	_ =	shalt  }
0x71: {  	_ =	shalt  }
0x72: {  	_ =	shalt  }
0x73: {  	_ =	shalt  }
0x74: {  	_ =	shalt  }
0x75: {  	_ =	shalt  }
0x76: {  	_ =	shalt  }
0x77: {  	_ =	shalt  }
0x78: {  	_ =	shalt  }
0x79: {  	_ =	shalt  }
0x7a: {  	_ =	shalt  }
0x7b: {  	_ =	shalt  }
0x7c: {  	_ =	shalt  }
0x7d: {  	_ =	shalt  }
0x7e: {  	_ =	shalt  }
0x7f: {  	_ =	shalt  }
0x80: {  	_ =	shalt  }
0x81: {  	_ =	shalt  }
0x82: {  	_ =	shalt  }
0x83: {  	_ =	shalt  }
0x84: {  	_ =	shalt  }
0x85: {  	_ =	shalt  }
0x86: {  	_ =	shalt  }
0x87: {  	_ =	shalt  }
.Lfunc_end0:
.L_simem_size_0:
called_computation.1_lowered:
.L_overlay_start_0:
0x88: {  	s2 =	sld [smem:$0x3FD9]  }
0x89: {  	s3 =	sld [smem:$0x3FFE];
	_ =	sdelay $0x1  }
0x8a: {  	s1 =	srdreg.scid  }
0x8b: {  	s0 =	sand.u32 $0x1, s1  }
0x8c: {  	s17 =	sshll.u32 s0, $0xA;
	s2 =	sadd.s32 s3, s2  }
0x8d: {  	s2 =	sadd.s32 s2, s17  }
0x8e: {  	[smem:$0x3FC5] =	sst s2  }
0x8f: {  	_ = 	snop  }
0x90: {  	s2 =	sld [smem:$0x3FC8];
	(tm) =	ssettm $0x1  }
0x91: {  	s18 =	sld [smem:$0x3FFB];
	_ =	sdelay $0x3  }
0x92: {  	_ =	strace s18  }
0x93: {  	s3 =	sld [smem:$0x3FFC];
	_ =	sdelay $0x3  }
0x94: {  	_ =	strace s3  }
0x95: {  	s3 =	sld [smem:$0x3FFD];
	_ =	sdelay $0x3  }
0x96: {  	_ =	strace s3  }
0x97: {  	_ =	strace $0x8FFFFFFF  }
0x98: {  	s19 =	sld [smem:$0x3FDB];
	_ =	sdelay $0x1  }
0x99: {  	s4 =	simm.s32 $_scs_section_size  }
0x9a: {  	s5 =	simm.s32 $_size__tile_overlayer_lowered;
	s6 =	simm.s32 $_tile_overlayer_lowered  }
0x9b: {  	s22 =	simm.s32 $0x1BFF;
	s21 =	sshll.u32 s6, $0x1;
	s3 =	sadd.s32 s4, s19  }
0x9c: {  	s7 =	simm.s32 $0x0;
	s20 =	sshll.u32 s5, $0x1;
	s5 =	sadd.s32 s21, s3  }
0x9d: {  	[timem:s7], [sflag:s22] =	dma.local [hbm:s5], s20  }
0x9e: {  	_ =	swait.ge [sflag:s22], s20  }
0x9f: {  	s4 =	ssub.s32 $0x0, s20;
	[sflag:s22] =	ssyncset.done $0x0  }
0xa0: {  	[sflag:s22] =	ssyncadd.s32 s4;
	_ =	sdelay $0x1  }
0xa1: {  	s23 =	simm.s32 $0x1B8B  }
0xa2: {  	_ =	swait.ge [sflag:s23], $0x1  }
0xa3: {  	[sflag:s23] =	ssyncset.done $0x0  }
0xa4: {  	s25 =	simm.s32 $0x1B8E;
	s24 =	sld [smem:$0x3FFE];
	[sflag:s23] =	ssyncadd.s32 $0xFFFFFFFF  }
0xa5: {  	s26 =	simm.s32 $execute0_lowered;
	[smem:$0x3FD2] =	sst s25  }
0xa6: {  	s5 =	sshll.u32 s26, $0x1;
	_ =	strace $0x80000049;
	[dreg:$0x1] =	wrdreg $0xFFFFFFFF  }
0xa7: {  	s28 =	simm.s32 $_size_execute0_lowered;
	s3 =	sadd.s32 s3, s5;
	[dreg:$0x0] =	wrdreg $0x0  }
0xa8: {  	s5 =	sshll.u32 s28, $0x1;
	[dreg:$0x2] =	wrdreg s3  }
0xa9: {  	[dreg:$0x3] =	wrdreg s5  }
0xaa: {  	[dreg:$0x4] =	wrdreg $0xC0  }
0xab: {  	_ =	task [dreg:s7], $0x5FFFF  }
0xac: {  	[dreg:$0x1] =	wrdreg $0xFFFFFFFF  }
0xad: {  	[dreg:$0x0] =	wrdreg $0x60  }
0xae: {  	[dreg:$0x2] =	wrdreg s24  }
0xaf: {  	[dreg:$0x3] =	wrdreg s2  }
0xb0: {  	[dreg:$0x4] =	wrdreg $0x9  }
0xb1: {  	_ =	task.clear_ibuf [dreg:s7], $0x5FFFF;
	_ =	strace $0x90000049  }
0xb2: {  	s29 =	simm.s32 $0x9;
	_ =	strace $0x8000004B  }
0xb3: {  	_ =	swait.ge [sflag:s29], $0x1  }
0xb4: {  	[sflag:s29] =	ssyncadd.s32 $0xFFFFFFFF  }
0xb5: {  	_ =	strace $0x9000004B  }
0xb6: {  	_ =	sfence  }
0xb7: {  	s30 =	sld [smem:$0x0];
	_ =	sdelay $0x2  }
0xb8: {  	s31 =	sshll.u32 s1, $0xD;
	s1 =	sshrl.u32 s1, $0x2  }
0xb9: {  	s3 =	sand.u32 $0x4000, s31;
	s1 =	sadd.s32 s1, s30  }
0xba: {  	s0 =	sor.u32 s3, s0;
	s1 =	sshll.u32 s1, $0x11  }
0xbb: {  	s0 =	sor.u32 s1, s0  }
0xbc: {  	s0 =	sadd.s32 $0x8F2B, s0  }
0xbd: {  	[sflag:s0] =	ssyncadd.remote.s32 $0x1  }
0xbe: {  	_ =	sfence.sel $0xFFFF  }
0xbf: {  	[dreg:$0x0] =	wrdreg $0xFFFFFFFF;
	(pc) =	sbr.abs _section_cstart, $3  }
0xc0: {  	[dreg:$0x1] =	wrdreg $0xFFFFFFFF  }
0xc1: {  	_ =	task.clear_ibuf [dreg:s7], $0x2FFFF;
	_ =	strace $0x9FFFFFFF  }
0xc2: {  	(tm) =	ssettm $0x7FFFFFFF  }
0xc3: {  	_ =	shalt  }
tec
execute0_lowered:
.L_overlay_start_1:
0x0: {  	(tag) =	ssettag $0x1  }
0x1: {  	v0 =	vlaneseq.u32;
	s5 =	rddreg [dreg:$0x0];
	v3 =	vimm.s32 $0xBA98FEDC  }
0x2: {  	s7 =	rddreg [dreg:$0x1];
	v4 =	vimm.s32 $0x76543210;
	v5 =	vimm.s32 $0xFEDCBA98;
	v8 =	vimm.s32 $0xDCFE98BA  }
0x3: {  	s0 =	rddreg [dreg:$0x2];
	s3 =	srdreg.scid;
	v9 =	vimm.s32 $0x54761032;
	v10 =	vimm.s32 $0xEFCDAB89;
	v6 =	vunpack.c.l.s4.s8 v3  }
0x4: {  	s2 =	simm.s32 $0x0;
	s1 =	stileid.u32;
	s13 =	simm.s32 $0x5000;
	v7 =	vunpack.c.l.s4.s8 v4;
	v4 =	vunpack.c.l.s4.s8 v5;
	v8 =	vunpack.c.l.s4.s8 v8  }
0x5: {  	s14 =	simm.s32 $0x1;
	s15 =	simm.s32 $0x4000;
	s16 =	simm.s32 $0x5020;
	v9 =	vunpack.c.l.s4.s8 v9;
	v5 =	vunpack.c.0.s8.s32 v6;
	v6 =	vimm.s32 $0x32107654  }
0x6: {  	v11 =	vimm.s32 $0x67452301;
	s17 =	simm.s32 $0x5040;
	s18 =	simm.s32 $0x5060;
	s19 =	simm.s32 $0x5080;
	v2 =	vand.u32 $0x3, v0;
	v6 =	vunpack.c.l.s4.s8 v6  }
0x7: {  	s20 =	simm.s32 $0x50A0;
	s21 =	simm.s32 $0x0;
	v1 =	vshrl.u32 v0, $0x2;
	s6 =	sand.u32 $0x1, s3;
	v8 =	vunpack.c.0.s8.s32 v8;
	v9 =	vunpack.c.0.s8.s32 v9  }
0x8: {  	[smem:$0x7FF] =	sst s2;
	s4 =	sshll.u32 s1, $0x6;
	v10 =	vunpack.c.l.s4.s8 v10;
	v11 =	vunpack.c.l.s4.s8 v11;
	s8 =	sshll.u32 s6, $0x5;
	v6 =	vunpack.c.0.s8.s32 v6  }
0x9: {  	s3 =	sadd.s32 $0xC00, s5;
	v2 =	vmul.u32 $0x8, v2;
	s6 =	ssub.s32 $0x2, s6;
	s8 =	sor.u32 s8, s4;
	v12 =	vunpack.c.0.s8.s32 v4;
	v8 =	vcombine.low v9, v8  }
0xa: {  	_ =	strace $0x8000004A;
	s31 =	sshrl.u32 s6, $0x1;
	s9 =	sshrl.u32 s8, $0x3;
	v13 =	vcombine.low v6, v5;
	v6 =	vunpack.c.0.s8.s32 v10;
	v10 =	vunpack.c.0.s8.s32 v11  }
0xb: {  	v3 =	vor.u32 $0x4, v1;
	s4 =	sadd.s32 $0x200C00, s5;
	v4 =	vor.u32 $0x8, v1;
	v7 =	vunpack.c.0.s8.s32 v7;
	s12 =	ssub.s32 s6, s31;
	s11 =	sadd.s32 s9, s5  }
0xc: {  	s5 =	sor.u32 $0x3C00, s8;
	s12 =	smax.u32 s12, $0x1;
	v9 =	vand.u32 $0xF, v12;
	s6 =	sadd.s32 $0x280C00, s11;
	v8 =	vand.u32 $0xF, v8;
	v10 =	vcombine.low v10, v6  }
0xd: {  	s8 =	sshrl.u32 s5, $0x3;
	s9 =	sadd.s32 $0x280D00, s11;
	s10 =	sadd.s32 $0x280D80, s11;
	v5 =	vor.u32 $0xC, v1;
	v11 =	vmul.u32 $0x100, v0;
	v6 =	vcombine.low v9, v7  }
0xe: {  	s7 =	sadd.s32 s7, s8;
	s8 =	sadd.s32 $0x280C80, s11;
	s11 =	sadd.s32 $0x280E00, s11;
	v7 =	vand.u32 $0xF, v13;
	v9 =	vand.u32 $0xF, v10;
	v10 =	vmul.u32 $0x400, v0  }
.LBB2_1:
0xf: {  	[tilespmem:s13], [sflag:$0x1] =	stream.linear.gather [hbm4b:s7+s2], $0x20, $0x38;
	[tilespmem:$0x50C0] =	vst v63  }
0x10: {  	_ =	swait.ge [sflag:s14], $0x20  }
0x11: {  	[sflag:s14] =	ssyncset.done $0x0  }
0x12: {  	p1 =	por $0x1, $0x1;
	s22 =	simm.s32 $0x0;
	[sflag:s14] =	ssyncadd.s32 $0xFFFFFFE0  }
.LBB2_2:
0x13: {  	s24 =	sor.u32 s5, s22  }
0x14: {  	s23 =	sshll.u32 s24, $0x7  }
0x15: {  	s23 =	sand.u32 $0x1FFFF800, s23  }
0x16: {  	s25 =	sadd.s32 s3, s23;
	s23 =	simm.s32 $0x0  }
0x17: {  	[tilespmem:s23], [sflag:$0x1] =	stream.linear.gather [hbm4b:s25+s23], $0x4000, $0x38;
	[tilespmem:$0x50C0] =	vst v63  }
0x18: {  	s24 =	sshll.u32 s24, $0x5;
	_ =	swait.ge [sflag:s14], $0x4000  }
0x19: {  	s24 =	sand.u32 $0x1FFFFE00, s24;
	[sflag:s14] =	ssyncset.done $0x0  }
0x1a: {  	s31 =	sadd.s32 s4, s24;
	s24 =	simm.s32 $0x4000;
	[sflag:s14] =	ssyncadd.s32 $0xFFFFC000  }
0x1b: {  	[tilespmem:s24], [sflag:$0x1] =	stream.linear.gather [hbm4b:s31+s23], $0x1000, $0x38;
	[tilespmem:$0x50C0] =	vst v63  }
0x1c: {  	_ =	swait.ge [sflag:s14], $0x1000  }
0x1d: {  	[sflag:s14] =	ssyncset.done $0x0  }
0x1e: {  	p0 =	por p1, p1;
	v12 =	vimm.f32 $0.0e+00;
	v13 =	vimm.f32 $0.0e+00;
	v14 =	vimm.f32 $0.0e+00;
	s25 =	simm.s32 $0x20;
	[sflag:s14] =	ssyncadd.s32 $0xFFFFF000  }
.LBB2_3:
0x1f: {  	v16 =	vmov s24;
	_ =	sdelay $0x3  }
0x20: {  	s26 =	simm.s32 $0x0  }
0x21: {  	v19 =	vld.idx.msk [tilespmem:v16+s26+$0x0 ss:$0x1], $0xffff;
	_ =	sdelay $0x4  }
0x22: {  	v15 =	vperm.xlane v19, v1  }
0x23: {  	s31 =	simm.s32 $0x10;
	v17 =	vld [tilespmem:s25+$0xFFFFFFE0];
	v18 =	vperm.xlane v19, v3  }
0x24: {  	v21 =	vshrl.u32 v15, v2;
	v15 =	vld.idx.msk [tilespmem:v16+s31+$0x0 ss:$0x1], $0xffff  }
0x25: {  	v24 =	vimm.f32 $0.0e+00;
	v22 =	vshrl.u32 v18, v2;
	v18 =	vld [tilespmem:s25+$0xFFFFFFF0];
	v21 =	vand.u32 $0x1, v21  }
0x26: {  	v23 =	vimm.f32 $0.0e+00;
	v20 =	vperm.xlane v19, v4;
	v21 =	vcvt.s32.f32 v21  }
0x27: {  	s28 =	simm.s32 $0x80;
	s26 =	smov.u32 s25;
	v25 =	vperm.xlane v19, v5;
	v19 =	vld [tilespmem:s25+$0x0];
	v26 =	vand.u32 $0x1, v22;
	v22 =	vimm.f32 $0.0e+00  }
.LBB2_4:
0x28: {  	p1 =	sne.s32 s28, $0x3C0;
	v27 =	vmul.f32 v21, v17;
	v26 =	vcvt.s32.f32 v26;
	v28 =	vshrl.u32 v20, v2  }
0x29: {  	v20 =	vperm.xlane v15, v4;
	v30 =	vmovc v15;
	v28 =	vand.u32 $0x1, v28;
	v29 =	vld [tilespmem:s26+$0x10];
	v25 =	vshrl.u32 v25, v2  }
0x2a: {  	v15 =	vadd.f32 v27, v24;
	v24 =	vmul.f32 v26, v18;
	v27 =	vcvt.s32.f32 v28  }
0x2b: {  	v22 =	vadd.f32 v17, v22;
	v21 =	vadd.f32 v21, v23;
	v17 =	vand.u32 $0x1, v25  }
0x2c: {  	s26 =	sadd.s32 $0x40, s26;
	v25 =	vcvt.s32.f32 v17;
	v23 =	vadd.f32 v24, v15;
	v24 =	vmul.f32 v27, v19  }
0x2d: {  	s29 =	sshra.s32 s28, $0x2;
	v28 =	vperm.xlane v30, v1;
	v18 =	vadd.f32 v18, v22;
	v21 =	vadd.f32 v26, v21;
	v17 =	vld [tilespmem:s26+$0xFFFFFFE0]  }
.Ltmp0:
0x2e: {  	v22 =	vperm.xlane v30, v3;
	v15 =	vld.idx.msk [tilespmem:v16+s29+$0x0 ss:$0x1], $0xffff;
	v23 =	vadd.f32 v24, v23;
	v24 =	vmul.f32 v25, v29;
	(pc) =	sbr.rel @p1 .LBB2_4-.Ltmp0, $4  }
0x2f: {  	v26 =	vshrl.u32 v28, v2;
	v19 =	vadd.f32 v19, v18;
	v27 =	vadd.f32 v27, v21  }
0x30: {  	v21 =	vand.u32 $0x1, v26;
	v26 =	vshrl.u32 v22, v2;
	v18 =	vld [tilespmem:s26+$0xFFFFFFF0];
	v24 =	vadd.f32 v24, v23  }
0x31: {  	v21 =	vcvt.s32.f32 v21;
	v22 =	vadd.f32 v29, v19;
	v23 =	vadd.f32 v25, v27  }
0x32: {  	s28 =	sadd.s32 $0x40, s28;
	v26 =	vand.u32 $0x1, v26;
	v25 =	vperm.xlane v30, v5;
	v19 =	vld [tilespmem:s26+$0x0]  }
0x33: {  	v16 =	vmul.f32 v21, v17  }
0x34: {  	v26 =	vcvt.s32.f32 v26;
	v20 =	vshrl.u32 v20, v2;
	v27 =	vperm.xlane v15, v4  }
0x35: {  	v40 =	vadd.f32 v17, v22;
	v41 =	vadd.f32 v21, v23;
	v44 =	vperm.xlane v15, v1  }
0x36: {  	v47 =	vperm.xlane v15, v3;
	v15 =	vperm.xlane v15, v5;
	v20 =	vand.u32 $0x1, v20  }
0x37: {  	v25 =	vshrl.u32 v25, v2;
	v16 =	vadd.f32 v16, v24;
	v39 =	vmul.f32 v26, v18  }
0x38: {  	v28 =	vld [tilespmem:s26+$0x10];
	v20 =	vcvt.s32.f32 v20;
	v42 =	vand.u32 $0x1, v25;
	v17 =	vadd.f32 v18, v40  }
0x39: {  	s31 =	sadd.s32 $0x40, s26;
	v46 =	vadd.f32 v26, v41;
	v48 =	vshrl.u32 v44, v2;
	v52 =	vshrl.u32 v47, v2  }
0x3a: {  	v45 =	vld [tilespmem:s31+$0xFFFFFFE0];
	v55 =	vshrl.u32 v27, v2;
	v15 =	vshrl.u32 v15, v2;
	v22 =	vcvt.s32.f32 v42  }
0x3b: {  	v50 =	vand.u32 $0x1, v48;
	v16 =	vadd.f32 v39, v16;
	v43 =	vmul.f32 v20, v19  }
0x3c: {  	v51 =	vld [tilespmem:s31+$0xFFFFFFF0];
	v17 =	vadd.f32 v19, v17;
	v18 =	vadd.f32 v20, v46;
	v19 =	vcvt.s32.f32 v50  }
0x3d: {  	v20 =	vand.u32 $0x1, v52;
	v49 =	vmul.f32 v22, v28;
	v16 =	vadd.f32 v43, v16  }
0x3e: {  	v53 =	vld [tilespmem:s31+$0x0];
	v56 =	vand.u32 $0x1, v55;
	v20 =	vcvt.s32.f32 v20;
	v17 =	vadd.f32 v28, v17  }
0x3f: {  	v54 =	vmul.f32 v19, v45;
	v18 =	vadd.f32 v22, v18;
	v16 =	vadd.f32 v49, v16  }
0x40: {  	v57 =	vld [tilespmem:s31+$0x10];
	v15 =	vand.u32 $0x1, v15;
	v22 =	vcvt.s32.f32 v56;
	v17 =	vadd.f32 v45, v17  }
0x41: {  	v58 =	vmul.f32 v20, v51;
	v18 =	vadd.f32 v19, v18;
	v16 =	vadd.f32 v54, v16  }
0x42: {  	v15 =	vcvt.s32.f32 v15;
	v17 =	vadd.f32 v51, v17  }
0x43: {  	v59 =	vmul.f32 v22, v53;
	v18 =	vadd.f32 v20, v18;
	v16 =	vadd.f32 v58, v16  }
0x44: {  	v17 =	vadd.f32 v53, v17  }
0x45: {  	v60 =	vmul.f32 v15, v57;
	v18 =	vadd.f32 v22, v18;
	v16 =	vadd.f32 v59, v16  }
0x46: {  	v17 =	vadd.f32 v57, v17  }
0x47: {  	v15 =	vadd.f32 v15, v18;
	v16 =	vadd.f32 v60, v16  }
0x48: {  	v61 =	vperm.xlane v17, v6  }
0x49: {  	v62 =	vperm.xlane v15, v6;
	v19 =	vperm.xlane v16, v6  }
0x4a: {  	v17 =	vadd.f32 v61, v17  }
0x4b: {  	v15 =	vadd.f32 v62, v15;
	v16 =	vadd.f32 v19, v16  }
0x4c: {  	v18 =	vperm.xlane v17, v7  }
0x4d: {  	v20 =	vperm.xlane v15, v7;
	v19 =	vperm.xlane v16, v7  }
0x4e: {  	v17 =	vadd.f32 v18, v17  }
0x4f: {  	v15 =	vadd.f32 v20, v15;
	v16 =	vadd.f32 v19, v16  }
0x50: {  	v18 =	vperm.xlane v17, v8  }
0x51: {  	v20 =	vperm.xlane v15, v8;
	v19 =	vperm.xlane v16, v8  }
0x52: {  	v17 =	vadd.f32 v18, v17  }
0x53: {  	v63 =	vmov s23;
	s23 =	sadd.s32 $0x1, s23;
	v15 =	vadd.f32 v20, v15;
	v16 =	vadd.f32 v19, v16  }
0x54: {  	p1 =	sne.s32 s23, $0x10;
	v18 =	vperm.xlane v17, v9  }
.Ltmp1:
0x55: {  	v20 =	vperm.xlane v15, v9;
	v19 =	vperm.xlane v16, v9;
	(pc) =	sbr.rel @p1 .LBB2_3-.Ltmp1, $4  }
0x56: {  	v17 =	vadd.f32 v18, v17  }
0x57: {  	v15 =	vadd.f32 v20, v15;
	v16 =	vadd.f32 v19, v16  }
0x58: {  	vm0 =	veq.s32 v63, v0  }
0x59: {  	s24 =	sadd.s32 $0x100, s24;
	s25 =	sadd.s32 $0x400, s25;
	v14 =	vsel vm0, v17, v14;
	v12 =	vsel vm0, v15, v12;
	v13 =	vsel vm0, v16, v13  }
0x5a: {  	v15 =	vld [tilespmem:s22+$0x5000];
	_ =	sdelay $0x4  }
0x5b: {  	v16 =	vshra.s32 v15, $0x2  }
0x5c: {  	v16 =	vadd.s32 v11, v16;
	_ =	sdelay $0x2  }
0x5d: {  	v17 =	vadd.s32 v10, v15;
	_ =	sdelay $0x1  }
0x5e: {  	v16 =	vld.idx.msk [tilespmem:v16+s15+$0x0], $0xffff;
	_ =	sdelay $0x2  }
0x5f: {  	v15 =	vshll.u32 v15, $0x3;
	v17 =	vld.idx.msk [tilespmem:v17+s2+$0x0], $0xffff  }
0x60: {  	v15 =	vand.u32 $0x18, v15  }
.Ltmp2:
0x61: {  	[tilespmem:s22+$0x5020] =	vst v14;
	v15 =	vshrl.u32 v16, v15;
	(pc) =	sbr.rel @p0 .LBB2_2-.Ltmp2, $4  }
0x62: {  	[tilespmem:s22+$0x5040] =	vst v13;
	v62 =	vand.u32 $0x1, v15  }
0x63: {  	[tilespmem:s22+$0x5060] =	vst v12;
	v63 =	vcvt.s32.f32 v62  }
0x64: {  	[tilespmem:s22+$0x5080] =	vst v17  }
0x65: {  	p1 =	por $0x0, $0x0;
	[tilespmem:s22+$0x50A0] =	vst v63;
	s22 =	simm.s32 $0x10  }
0x66: {  	[hbm4b:s6+s2] =	stream.linear.scatter [tilespmem:s16], [sflag:$0x1], $0x20, $0x38;
	[tilespmem:$0x50C0] =	vst v63  }
0x67: {  	_ =	swait.ge [sflag:s14], $0x20  }
0x68: {  	[sflag:s14] =	ssyncset.done $0x0  }
0x69: {  	[sflag:s14] =	ssyncadd.s32 $0xFFFFFFE0  }
0x6a: {  	[hbm4b:s8+s2] =	stream.linear.scatter [tilespmem:s17], [sflag:$0x1], $0x20, $0x38;
	[tilespmem:$0x50C0] =	vst v63  }
0x6b: {  	_ =	swait.ge [sflag:s14], $0x20  }
0x6c: {  	[sflag:s14] =	ssyncset.done $0x0  }
0x6d: {  	[sflag:s14] =	ssyncadd.s32 $0xFFFFFFE0  }
0x6e: {  	[hbm4b:s9+s2] =	stream.linear.scatter [tilespmem:s18], [sflag:$0x1], $0x20, $0x38;
	[tilespmem:$0x50C0] =	vst v63  }
0x6f: {  	_ =	swait.ge [sflag:s14], $0x20  }
0x70: {  	[sflag:s14] =	ssyncset.done $0x0  }
0x71: {  	[sflag:s14] =	ssyncadd.s32 $0xFFFFFFE0  }
0x72: {  	[hbm4b:s10+s2] =	stream.linear.scatter [tilespmem:s19], [sflag:$0x1], $0x20, $0x38;
	[tilespmem:$0x50C0] =	vst v63  }
0x73: {  	s21 =	sadd.s32 $0x1, s21;
	_ =	swait.ge [sflag:s14], $0x20  }
0x74: {  	p0 =	sne.s32 s21, s12;
	[sflag:s14] =	ssyncset.done $0x0  }
.Ltmp3:
0x75: {  	[sflag:s14] =	ssyncadd.s32 $0xFFFFFFE0;
	(pc) =	sbr.rel @p0 .LBB2_1-.Ltmp3, $4  }
0x76: {  	[hbm4b:s11+s2] =	stream.linear.scatter [tilespmem:s20], [sflag:$0x1], $0x20, $0x38;
	[tilespmem:$0x50C0] =	vst v63  }
0x77: {  	_ =	swait.ge [sflag:s14], $0x20  }
0x78: {  	[sflag:s14] =	ssyncset.done $0x0  }
0x79: {  	[sflag:s14] =	ssyncadd.s32 $0xFFFFFFE0  }
0x7a: {  	_ =	sfence.sel $0x180000  }
0x7b: {  	[bflag:$0x0] =	sbarrier.arrive $0xFFFF  }
0x7c: {  	p0 =	sne.s32 s1, $0x0;
	_ =	strace $0x9000004A  }
0x7d: {  	s0 =	sadd.s32 @!p0 $0x100000, s0;
	[bflag:$0x2] =	sbarrier.arrive $0xFFFF  }
0x7e: {  	[sflag:s0] =	ssyncadd.tile.s32 @!p0 $0x1;
	_ =	shalt  }
.Lfunc_end2:
_tile_overlayer_lowered:
.L_overlay_start_2:
0x7f: {  	(tag) =	ssettag $0x2  }
0x80: {  	s0 =	rddreg [dreg:$0x0];
	s2 =	stileid.u32  }
0x81: {  	s1 =	rddreg [dreg:$0x1];
	p0 =	sne.s32 s2, $0x0  }
0x82: {  	s3 =	rddreg [dreg:$0x2];
	[bflag:$0x3] =	sbarrier.arrive $0xFFFF;
	s2 =	simm.s32 @!p0 $0x1C01  }
0x83: {  	[timem:s3], [sflag:s2] =	dma.local @!p0 [hbm:s0], s1  }
0x84: {  	s0 =	simm.s32 @!p0 $0x1  }
0x85: {  	_ =	swait.ge @!p0 [sflag:s0], s1  }
0x86: {  	s1 =	ssub.s32 @!p0 $0x0, s1;
	[sflag:s0] =	ssyncset.done @!p0 $0x0  }
0x87: {  	[sflag:s0] =	ssyncadd.s32 @!p0 s1  }
0x88: {  	[bflag:$0x3] =	sbarrier.arrive $0xFFFF  }
0x89: {  	_ =	shalt  }

// kernel: sparse-core-data-format-call.cloned.1.call-start
scs
called_computation_lowered:
.L_overlay_start_0:
0x0: {  	s2 =	sld [smem:$0x3FD9]  }
0x1: {  	s3 =	sld [smem:$0x3FFE];
	_ =	sdelay $0x1  }
0x2: {  	s1 =	srdreg.scid  }
0x3: {  	s0 =	sand.u32 $0x1, s1  }
0x4: {  	s18 =	sshll.u32 s0, $0xA;
	s2 =	sadd.s32 s3, s2  }
0x5: {  	s2 =	sadd.s32 s2, s18  }
0x6: {  	[smem:$0x3FC5] =	sst s2  }
0x7: {  	_ = 	snop  }
0x8: {  	s2 =	sld [smem:$0x3FC9];
	(tm) =	ssettm $0x1  }
0x9: {  	s19 =	sld [smem:$0x3FFB];
	_ =	sdelay $0x3  }
0xa: {  	_ =	strace s19  }
0xb: {  	s3 =	sld [smem:$0x3FFC];
	_ =	sdelay $0x3  }
0xc: {  	_ =	strace s3  }
0xd: {  	s3 =	sld [smem:$0x3FFD];
	_ =	sdelay $0x3  }
0xe: {  	_ =	strace s3  }
0xf: {  	_ =	strace $0x8FFFFFFF  }
0x10: {  	s20 =	sld [smem:$0x3FDB];
	_ =	sdelay $0x1  }
0x11: {  	s4 =	simm.s32 $_scs_section_size  }
0x12: {  	s5 =	simm.s32 $_size__tile_overlayer_lowered;
	s6 =	simm.s32 $_tile_overlayer_lowered  }
0x13: {  	s23 =	simm.s32 $0x1BFF;
	s22 =	sshll.u32 s6, $0x1;
	s3 =	sadd.s32 s4, s20  }
0x14: {  	s7 =	simm.s32 $0x0;
	s21 =	sshll.u32 s5, $0x1;
	s5 =	sadd.s32 s22, s3  }
0x15: {  	[timem:s7], [sflag:s23] =	dma.local [hbm:s5], s21  }
0x16: {  	_ =	swait.ge [sflag:s23], s21  }
0x17: {  	s4 =	ssub.s32 $0x0, s21;
	[sflag:s23] =	ssyncset.done $0x0  }
0x18: {  	[sflag:s23] =	ssyncadd.s32 s4;
	_ =	sdelay $0x1  }
0x19: {  	s24 =	simm.s32 $0x1B8B  }
0x1a: {  	_ =	swait.ge [sflag:s24], $0x1  }
0x1b: {  	[sflag:s24] =	ssyncset.done $0x0  }
0x1c: {  	s26 =	simm.s32 $0x1B8E;
	s25 =	sld [smem:$0x3FFE];
	[sflag:s24] =	ssyncadd.s32 $0xFFFFFFFF  }
0x1d: {  	s27 =	simm.s32 $execute0_lowered;
	[smem:$0x3FD2] =	sst s26  }
0x1e: {  	s5 =	sshll.u32 s27, $0x1;
	_ =	strace $0x80000046;
	[dreg:$0x1] =	wrdreg $0xFFFFFFFF  }
0x1f: {  	s28 =	simm.s32 $_size_execute0_lowered;
	s3 =	sadd.s32 s3, s5;
	[dreg:$0x0] =	wrdreg $0x0  }
0x20: {  	s5 =	sshll.u32 s28, $0x1;
	[dreg:$0x2] =	wrdreg s3  }
0x21: {  	[dreg:$0x3] =	wrdreg s5  }
0x22: {  	[dreg:$0x4] =	wrdreg $0xC0  }
0x23: {  	_ =	task [dreg:s7], $0x5FFFF  }
0x24: {  	[dreg:$0x1] =	wrdreg $0xFFFFFFFF  }
0x25: {  	[dreg:$0x0] =	wrdreg $0x60  }
0x26: {  	[dreg:$0x2] =	wrdreg s2  }
0x27: {  	[dreg:$0x3] =	wrdreg s25  }
0x28: {  	[dreg:$0x4] =	wrdreg $0x9  }
0x29: {  	_ =	task.clear_ibuf [dreg:s7], $0x5FFFF;
	_ =	strace $0x90000046  }
0x2a: {  	s29 =	simm.s32 $0x9;
	_ =	strace $0x80000048  }
0x2b: {  	_ =	swait.ge [sflag:s29], $0x1  }
0x2c: {  	[sflag:s29] =	ssyncadd.s32 $0xFFFFFFFF  }
0x2d: {  	_ =	strace $0x90000048  }
0x2e: {  	_ =	sfence  }
0x2f: {  	s30 =	sld [smem:$0x0];
	_ =	sdelay $0x2  }
0x30: {  	s31 =	sshll.u32 s1, $0xD;
	s1 =	sshrl.u32 s1, $0x2  }
0x31: {  	s3 =	sand.u32 $0x4000, s31;
	s1 =	sadd.s32 s1, s30  }
0x32: {  	s0 =	sor.u32 s3, s0;
	s1 =	sshll.u32 s1, $0x11  }
0x33: {  	s0 =	sor.u32 s1, s0  }
0x34: {  	s0 =	sadd.s32 $0x8F2B, s0  }
0x35: {  	[sflag:s0] =	ssyncadd.remote.s32 $0x1  }
0x36: {  	_ =	sfence.sel $0xFFFF  }
0x37: {  	[dreg:$0x0] =	wrdreg $0xFFFFFFFF;
	(pc) =	sbr.abs _section_cstart, $3  }
0x38: {  	[dreg:$0x1] =	wrdreg $0xFFFFFFFF  }
0x39: {  	_ =	task.clear_ibuf [dreg:s7], $0x2FFFF;
	_ =	strace $0x9FFFFFFF  }
0x3a: {  	(tm) =	ssettm $0x7FFFFFFF  }
0x3b: {  	_ =	shalt  }
tec
execute0_lowered:
.L_overlay_start_1:
0x0: {  	(tag) =	ssettag $0x1  }
0x1: {  	s0 =	srdreg.scid  }
0x2: {  	s1 =	sshll.u32 s0, $0x4  }
0x3: {  	s2 =	rddreg [dreg:$0x0];
	s0 =	stileid.u32;
	s1 =	sand.u32 $0x10, s1  }
0x4: {  	s4 =	rddreg [dreg:$0x1];
	s7 =	simm.s32 $0x1;
	s1 =	sor.u32 s0, s1  }
0x5: {  	s8 =	simm.s32 $0x2;
	s9 =	simm.s32 $0x0;
	s3 =	sshll.u32 s1, $0x1  }
0x6: {  	s12 =	simm.s32 $0x0;
	s11 =	simm.s32 $0x0;
	s6 =	ssub.s32 $0x800, s3  }
.Ltmp0:
0x7: {  	s4 =	sadd.s32 $0xC00, s4;
	s5 =	sand.u32 $0x3E, s6;
	(pc) =	sbr.rel .LBB1_1-.Ltmp0, $4  }
0x8: {  	s1 =	rddreg [dreg:$0x2];
	_ =	strace $0x80000047;
	p0 =	sne.s32 s5, $0x0  }
0x9: {  	s6 =	sshrl.u32 s6, $0x6;
	s5 =	simm.s32 $0x1;
	s7 =	simm.s32 @!p0 $0x0  }
0xa: {  	s10 =	smov.u32 s3;
	[sflag:s5] =	ssyncpa.u1 $0x0;
	s6 =	sadd.s32 s7, s6  }
0xb: {  	[sflag:s8] =	ssyncpa.u1 $0x0;
	s8 =	simm.s32 $0x0;
	s7 =	sadd.s32 $0x1, s6  }
.LBB1_9:
0xc: {  	s14 =	sadd.s32 $0x40, s10  }
0xd: {  	p1 =	sgt.s32 s14, $0x7FF  }
0xe: {  	s14 =	smov.u32 @p1 s3;
	p1 =	sne.s32 s11, s7  }
.Ltmp1:
0xf: {  	p0 =	slt.u32 s11, $0x2;
	(pc) =	sbr.rel @!p1 .LBB1_10-.Ltmp1, $4  }
0x10: {  	s13 =	simm.s32 @!p0 $0x2  }
0x11: {  	s15 =	sadd.s32 $0x1, s11;
	_ =	swait.ge @!p0 [sflag:s13], $0x4000  }
0x12: {  	s12 =	smov.u32 s10;
	s9 =	sadd.s32 $0x4000, s9;
	[sflag:s13] =	ssyncset.done @!p0 $0x0  }
0x13: {  	s11 =	smov.u32 s15;
	s10 =	smov.u32 s14;
	[sflag:s13] =	ssyncadd.s32 @!p0 $0xFFFFC000  }
.LBB1_1:
0x14: {  	p0 =	sge.u32 s11, s6  }
0x15: {  	s13 =	sxor.u32 @!p0 $0xFFFFFFFF, s11  }
0x16: {  	s31 =	sadd.s32 $0xFFFFFFFF, s11;
	s14 =	sshll.u32 @!p0 s10, $0xA;
	s13 =	sshll.u32 @!p0 s13, $0xE  }
0x17: {  	s15 =	simm.s32 @!p0 $0x0;
	s14 =	sadd.s32 @!p0 s2, s14;
	s13 =	sand.u32 @!p0 $0x4000, s13  }
0x18: {  	[tilespmem:s13], [sflag:$0x1] =	stream.linear.gather @!p0 [hbm4b:s14+s15], $0x4000, $0x38;
	[tilespmem:$0x10000] =	vst v63  }
0x19: {  	p0 =	sge.u32 s31, s6  }
.Ltmp2:
0x1a: {  	_ = 	snop;
	(pc) =	sbr.rel @p0 .LBB1_9-.Ltmp2, $1  }
0x1b: {  	_ =	sdelay $0x3  }
0x1c: {  	s13 =	sshll.u32 s9, $0x2  }
0x1d: {  	_ =	swait.ge [sflag:s5], $0x4000;
	s14 =	sshll.u32 s11, $0xE;
	s16 =	simm.s32 $0x0  }
0x1e: {  	p1 =	por $0x1, $0x1;
	s13 =	sand.u32 $0x10000, s13;
	[sflag:s5] =	ssyncset.done $0x0  }
0x1f: {  	s14 =	sand.u32 $0x4000, s14;
	s15 =	sshrl.u32 s13, $0x2;
	[sflag:s5] =	ssyncadd.s32 $0xFFFFC000  }
0x20: {  	s13 =	sor.u32 $0x8000, s14;
	s14 =	sadd.s32 $0x8040, s15;
	s15 =	sadd.s32 $0x40, s15  }
.LBB1_3:
0x21: {  	s16 =	sshll.u32 s16, $0x2  }
0x22: {  	p0 =	por p1, p1;
	s17 =	sshra.s32 s16, $0x2  }
0x23: {  	s18 =	simm.s32 $0x0;
	s16 =	sadd.s32 s17, s14;
	s17 =	sadd.s32 s17, s15  }
.LBB1_4:
0x24: {  	v0 =	vmov s17;
	_ =	sdelay $0x3  }
0x25: {  	s20 =	simm.s32 $0x0  }
0x26: {  	v6 =	vld.idx.msk [tilespmem:v0+s20+$0x30 ss:$0x1], $0xffff  }
0x27: {  	v7 =	vld.idx.msk [tilespmem:v0+s20+$0xFFFFFFC0 ss:$0x1], $0xffff  }
0x28: {  	v5 =	vld.idx.msk [tilespmem:v0+s20+$0xFFFFFFD0 ss:$0x1], $0xffff  }
0x29: {  	v4 =	vld.idx.msk [tilespmem:v0+s20+$0xFFFFFFE0 ss:$0x1], $0xffff  }
0x2a: {  	v3 =	vld.idx.msk [tilespmem:v0+s20+$0xFFFFFFF0 ss:$0x1], $0xffff  }
0x2b: {  	v1 =	vld.idx.msk [tilespmem:v0+s20+$0x0 ss:$0x1], $0xffff  }
0x2c: {  	v2 =	vld.idx.msk [tilespmem:v0+s20+$0x10 ss:$0x1], $0xffff;
	[tilespmem:s16+$0x30] =	vst v6  }
0x2d: {  	s19 =	simm.s32 $0x80;
	s21 =	simm.s32 $0x400;
	[tilespmem:s16+$0xFFFFFFC0] =	vst v7;
	v6 =	vld.idx.msk [tilespmem:v0+s20+$0x20 ss:$0x1], $0xffff;
	s20 =	smov.u32 s16  }
.LBB1_5:
0x2e: {  	p1 =	sne.s32 s21, $0xE00;
	v7 =	vld.idx.msk [tilespmem:v0+s19+$0x30 ss:$0x1], $0xffff;
	[tilespmem:s20+$0xFFFFFFD0] =	vst v5  }
0x2f: {  	v8 =	vld.idx.msk [tilespmem:v0+s19+$0xFFFFFFC0 ss:$0x1], $0xffff;
	[tilespmem:s20+$0xFFFFFFE0] =	vst v4  }
0x30: {  	v5 =	vld.idx.msk [tilespmem:v0+s19+$0xFFFFFFD0 ss:$0x1], $0xffff;
	[tilespmem:s20+$0xFFFFFFF0] =	vst v3  }
.Ltmp3:
0x31: {  	v4 =	vld.idx.msk [tilespmem:v0+s19+$0xFFFFFFE0 ss:$0x1], $0xffff;
	[tilespmem:s20+$0x0] =	vst v1;
	(pc) =	sbr.rel @p1 .LBB1_5-.Ltmp3, $4  }
0x32: {  	v3 =	vld.idx.msk [tilespmem:v0+s19+$0xFFFFFFF0 ss:$0x1], $0xffff;
	[tilespmem:s20+$0x10] =	vst v2  }
0x33: {  	v1 =	vld.idx.msk [tilespmem:v0+s19+$0x0 ss:$0x1], $0xffff;
	[tilespmem:s20+$0x20] =	vst v6;
	s20 =	sadd.s32 $0x400, s20  }
0x34: {  	v2 =	vld.idx.msk [tilespmem:v0+s19+$0x10 ss:$0x1], $0xffff;
	[tilespmem:s20+$0x30] =	vst v7  }
0x35: {  	[tilespmem:s20+$0xFFFFFFC0] =	vst v8;
	v6 =	vld.idx.msk [tilespmem:v0+s19+$0x20 ss:$0x1], $0xffff;
	s19 =	sshra.s32 s21, $0x2;
	s21 =	sadd.s32 $0x200, s21  }
0x36: {  	_ =	sdelay $0x2  }
0x37: {  	[tilespmem:s20+$0xFFFFFFD0] =	vst v5  }
0x38: {  	v56 =	vld.idx.msk [tilespmem:v0+s19+$0x30 ss:$0x1], $0xffff;
	[tilespmem:s20+$0xFFFFFFE0] =	vst v4  }
0x39: {  	v57 =	vld.idx.msk [tilespmem:v0+s19+$0xFFFFFFC0 ss:$0x1], $0xffff;
	[tilespmem:s20+$0xFFFFFFF0] =	vst v3  }
0x3a: {  	v58 =	vld.idx.msk [tilespmem:v0+s19+$0xFFFFFFD0 ss:$0x1], $0xffff;
	[tilespmem:s20+$0x0] =	vst v1  }
0x3b: {  	v59 =	vld.idx.msk [tilespmem:v0+s19+$0xFFFFFFE0 ss:$0x1], $0xffff;
	[tilespmem:s20+$0x10] =	vst v2  }
0x3c: {  	v60 =	vld.idx.msk [tilespmem:v0+s19+$0xFFFFFFF0 ss:$0x1], $0xffff;
	s31 =	sadd.s32 $0x400, s20;
	[tilespmem:s20+$0x20] =	vst v6  }
0x3d: {  	v61 =	vld.idx.msk [tilespmem:v0+s19+$0x0 ss:$0x1], $0xffff;
	[tilespmem:s31+$0x30] =	vst v56  }
0x3e: {  	v62 =	vld.idx.msk [tilespmem:v0+s19+$0x10 ss:$0x1], $0xffff;
	s18 =	sadd.s32 $0x1, s18;
	[tilespmem:s31+$0xFFFFFFC0] =	vst v57  }
0x3f: {  	v63 =	vld.idx.msk [tilespmem:v0+s19+$0x20 ss:$0x1], $0xffff;
	p1 =	sne.s32 s18, $0x8;
	[tilespmem:s31+$0xFFFFFFD0] =	vst v58  }
.Ltmp4:
0x40: {  	[tilespmem:s31+$0xFFFFFFE0] =	vst v59;
	(pc) =	sbr.rel @p1 .LBB1_4-.Ltmp4, $4  }
0x41: {  	[tilespmem:s31+$0xFFFFFFF0] =	vst v60  }
0x42: {  	[tilespmem:s31+$0x0] =	vst v61  }
0x43: {  	[tilespmem:s31+$0x10] =	vst v62  }
0x44: {  	s16 =	sadd.s32 $0x80, s16;
	s17 =	sadd.s32 $0x400, s17;
	[tilespmem:s31+$0x20] =	vst v63  }
.Ltmp5:
0x45: {  	(pc) =	sbr.rel @p0 .LBB1_3-.Ltmp5, $2  }
0x46: {  	_ =	sdelay $0x2  }
0x47: {  	s16 =	simm.s32 $0x2000;
	p1 =	por $0x0, $0x0  }
.Ltmp6:
0x48: {  	(pc) =	sbr.rel .LBB1_9-.Ltmp6, $4  }
0x49: {  	_ = 	snop  }
0x4a: {  	s12 =	sshll.u32 s12, $0xA  }
0x4b: {  	s12 =	sadd.s32 s4, s12  }
0x4c: {  	[hbm4b:s12+s8] =	stream.linear.scatter [tilespmem:s13], [sflag:$0x2], $0x4000, $0x38;
	[tilespmem:$0x10000] =	vst v63  }
.LBB1_10:
0x4d: {  	_ =	sfence.sel $0x180000  }
0x4e: {  	s2 =	simm.s32 $0x1;
	[bflag:$0x0] =	sbarrier.arrive $0xFFFF  }
0x4f: {  	s31 =	simm.s32 $0x2;
	[sflag:s2] =	ssyncpa.u1 $0x1  }
0x50: {  	[sflag:s31] =	ssyncpa.u1 $0x1  }
0x51: {  	p0 =	sne.s32 s0, $0x0;
	_ =	strace $0x90000047  }
0x52: {  	s0 =	sadd.s32 @!p0 $0x100000, s1;
	[bflag:$0x2] =	sbarrier.arrive $0xFFFF  }
0x53: {  	[sflag:s0] =	ssyncadd.tile.s32 @!p0 $0x1;
	_ =	shalt  }
.Lfunc_end1:
_tile_overlayer_lowered:
.L_overlay_start_2:
0x54: {  	(tag) =	ssettag $0x2  }
0x55: {  	s0 =	rddreg [dreg:$0x0];
	s2 =	stileid.u32  }
0x56: {  	s1 =	rddreg [dreg:$0x1];
	p0 =	sne.s32 s2, $0x0  }
0x57: {  	s3 =	rddreg [dreg:$0x2];
	[bflag:$0x3] =	sbarrier.arrive $0xFFFF;
	s2 =	simm.s32 @!p0 $0x1C01  }
0x58: {  	[timem:s3], [sflag:s2] =	dma.local @!p0 [hbm:s0], s1  }
0x59: {  	s0 =	simm.s32 @!p0 $0x1  }
0x5a: {  	_ =	swait.ge @!p0 [sflag:s0], s1  }
0x5b: {  	s1 =	ssub.s32 @!p0 $0x0, s1;
	[sflag:s0] =	ssyncset.done @!p0 $0x0  }
0x5c: {  	[sflag:s0] =	ssyncadd.s32 @!p0 s1  }
0x5d: {  	[bflag:$0x3] =	sbarrier.arrive $0xFFFF  }
0x5e: {  	_ =	shalt  }

</sc_bundles>
